<compile_context>
chip_gen: v7x
topology: tpu7x:2x2x1
jax: 0.10.2.dev20260603
libtpu: 0.0.44.dev20260713+nightly
codegen_flags: <defaults>
</compile_context>

<pallas_src>
import jax
import jax.numpy as jnp
from jax import lax
from jax.experimental import pallas as pl
from jax.experimental.pallas import tpu as pltpu
from jax.experimental.pallas import tpu_sc as plsc


def kernel(x, seq_lengths, table):
    del seq_lengths
    B, L = x.shape
    V, D = table.shape
    NB = B // 128
    DG = D // 8
    xT = x.T.astype(jnp.int32) * 2
    tp = jnp.pad(table, ((0, 0), (0, 128 - D))).reshape(2 * V, D)

    mesh = plsc.VectorSubcoreMesh(core_axis_name="core", subcore_axis_name="subcore")

    @pl.kernel(
        out_type=jax.ShapeDtypeStruct((L, DG, NB, 8, 128), table.dtype),
        mesh=mesh,
        compiler_params=pltpu.CompilerParams(
            use_tc_tiling_on_sc=False, needs_layout_passes=False
        ),
        scratch_types=[
            pltpu.VMEM((L, 128), jnp.int32),
            pltpu.VMEM((128, D), jnp.float32),
            pltpu.VMEM((128, D), jnp.float32),
            pltpu.VMEM((DG, 8, 129), jnp.float32),
            pltpu.VMEM((DG, 8, 129), jnp.float32),
            pltpu.SemaphoreType.DMA,
            pltpu.SemaphoreType.DMA,
            pltpu.SemaphoreType.DMA,
            pltpu.SemaphoreType.DMA,
        ],
    )
    def gather_kernel(table_hbm, xT_hbm, z_hbm, idx_v, g0, g1, o0, o1, sg0, sg1, so0, so1):
        wid = lax.axis_index("subcore") * 2 + lax.axis_index("core")
        bt = wid

        pltpu.sync_copy(xT_hbm.at[:, pl.ds(bt * 128, 128)], idx_v)

        def start_gather(l, g, sem):
            pltpu.async_copy(table_hbm.at[idx_v.at[l]], g, sem)

        iota = lax.iota(jnp.int32, 16)
        dgvs = [(iota + 16 * c) // 8 for c in range(4)]
        divs = [(iota + 16 * c) % 8 for c in range(4)]

        def transpose(g, o):
            @pl.loop(0, 128, step=2)
            def _(b):
                for u in range(2):
                    bv = jnp.full((16,), 1, jnp.int32) * (b + u)
                    for c in range(4):
                        vals = g[b + u, pl.ds(c * 16, 16)]
                        plsc.store_scatter(o, [dgvs[c], divs[c], bv], vals)

        def flush(o, so, l):
            pltpu.async_copy(o.at[:, :, pl.ds(0, 128)], z_hbm.at[l, :, bt], so)

        def wait_gather(g, sem):
            pltpu.make_async_copy(table_hbm.at[idx_v.at[0]], g, sem).wait()

        def wait_out(o, so, l):
            pltpu.make_async_copy(
                o.at[:, :, pl.ds(0, 128)], z_hbm.at[l, :, bt], so
            ).wait()

        start_gather(0, g0, sg0)

        @pl.loop(0, L // 2)
        def _(i):
            l0 = i * 2
            l1 = l0 + 1
            start_gather(l1, g1, sg1)
            wait_gather(g0, sg0)

            @pl.when(i > 0)
            def _():
                wait_out(o0, so0, l0)

            transpose(g0, o0)
            flush(o0, so0, l0)

            @pl.when(i < L // 2 - 1)
            def _():
                start_gather(l0 + 2, g0, sg0)

            wait_gather(g1, sg1)

            @pl.when(i > 0)
            def _():
                wait_out(o1, so1, l1)

            transpose(g1, o1)
            flush(o1, so1, l1)

        wait_out(o0, so0, 0)
        wait_out(o1, so1, 0)

    z = gather_kernel(tp, xT)
    return z.transpose(2, 4, 0, 1, 3).reshape(B, L, D)

# --- scband reference (transcript-rebuilt; emitter-appended) ---
"""Pipeline reference for scband-translator-rnn-17815524343865 (READ-ONLY COPY).

The authoritative reference and input builder live on the scoring server;
editing this copy changes nothing except your own understanding.
"""

import jax, jax.numpy as jnp
import numpy as np

VOCAB = 100000
EMBED = 64
B = 4096
L = 50


def setup_inputs(seed: int = 0) -> dict:
    key = jax.random.key(seed)
    k1, k2, k3 = jax.random.split(key, 3)
    x = jax.random.randint(k1, (B, L), 0, VOCAB)
    seq_lengths = jax.random.randint(k2, (B,), 1, L + 1)
    table = jax.random.normal(k3, (VOCAB, EMBED), dtype=jnp.float32) * 0.02
    # padding_idx=0: row 0 of the embedding table is zero
    table = table.at[0].set(0.0)
    return {"x": x, "seq_lengths": seq_lengths, "table": table}


def reference(x, seq_lengths, table):
    # nn.Embedding(vocab_size, embedding_size, padding_idx=0) lookup
    # seq_lengths accompanies the padded batch but does not alter the lookup itself.
    emb = jnp.take(table, x, axis=0)
    return emb

if __name__ == "__main__":
    import jax
    _d = setup_inputs()
    print(jax.jit(kernel)(*tuple(_d.values())))

</pallas_src>

<mosaic_0001>
#map = affine_map<(d0, d1) -> (0, 0)>
#map1 = affine_map<(d0, d1) -> (0, 0, 0, 0, 0)>
module attributes {stable_mosaic.version = 14 : i64} {
  func.func @gather_kernel(%arg0: i32, %arg1: i32, %arg2: memref<200000x64xf32, #tpu.memory_space<hbm>>, %arg3: memref<50x4096xi32, #tpu.memory_space<hbm>>, %arg4: memref<50x8x32x8x128xf32, #tpu.memory_space<hbm>>, %arg5: memref<50x128xi32, #tpu.memory_space<vmem>>, %arg6: memref<128x64xf32, #tpu.memory_space<vmem>>, %arg7: memref<128x64xf32, #tpu.memory_space<vmem>>, %arg8: memref<8x8x129xf32, #tpu.memory_space<vmem>>, %arg9: memref<8x8x129xf32, #tpu.memory_space<vmem>>, %arg10: memref<!tpu.dma_semaphore, #tpu.memory_space<semaphore_mem>>, %arg11: memref<!tpu.dma_semaphore, #tpu.memory_space<semaphore_mem>>, %arg12: memref<!tpu.dma_semaphore, #tpu.memory_space<semaphore_mem>>, %arg13: memref<!tpu.dma_semaphore, #tpu.memory_space<semaphore_mem>>) attributes {dimension_semantics = [#tpu.dimension_semantics<core_parallel>, #tpu.dimension_semantics<subcore_parallel>], iteration_bounds = array<i64: 2, 16>, scalar_prefetch = 0 : i64, scratch_operands = 9 : i64, tpu.core_type = #tpu.core_type<sc_vector_subcore>, window_params = [{transform_indices = #map}, {transform_indices = #map}, {transform_indices = #map1}]} {
    %mul3A = arith.constant 2 : i32
    %mul3A_0 = arith.muli %arg1, %mul3A : i32
    %add3A = arith.addi %mul3A_0, %arg0 : i32
    %mul3A_1 = arith.constant 128 : i32
    %mul3A_2 = arith.muli %add3A, %mul3A_1 : i32
    "tpu.region"() ({
      %run_scoped3A = tpu.sem_alloc : memref<!tpu.dma_semaphore, #tpu.memory_space<semaphore_mem>>
      %dma_start3A_276 = arith.constant 0 : i32
      %dma_start3A_277 = tpu.memref_slice %arg3[%dma_start3A_276, %mul3A_2] : memref<50x4096xi32, #tpu.memory_space<hbm>> -> memref<50x128xi32, #tpu.memory_space<hbm>>
      %dma_start3A_278 = arith.constant 0 : i32
      %dma_start3A_279 = tpu.memref_slice %arg3[%dma_start3A_278, %mul3A_2] : memref<50x4096xi32, #tpu.memory_space<hbm>> -> memref<50x128xi32, #tpu.memory_space<hbm>>
      tpu.enqueue_dma source(%dma_start3A_279 : memref<50x128xi32, #tpu.memory_space<hbm>>) target(%arg5 : memref<50x128xi32, #tpu.memory_space<vmem>>) target_semaphore(%run_scoped3A : memref<!tpu.dma_semaphore, #tpu.memory_space<semaphore_mem>>)
      %dma_wait3A_280 = arith.constant 0 : i32
      %dma_wait3A_281 = tpu.memref_slice %arg3[%dma_wait3A_280, %mul3A_2] : memref<50x4096xi32, #tpu.memory_space<hbm>> -> memref<50x128xi32, #tpu.memory_space<hbm>>
      %dma_wait3A_282 = arith.constant 0 : i32
      %dma_wait3A_283 = tpu.memref_slice %arg3[%dma_wait3A_282, %mul3A_2] : memref<50x4096xi32, #tpu.memory_space<hbm>> -> memref<50x128xi32, #tpu.memory_space<hbm>>
      tpu.wait_dma2 semaphore(%run_scoped3A : memref<!tpu.dma_semaphore, #tpu.memory_space<semaphore_mem>>) src(%dma_wait3A_283 : memref<50x128xi32, #tpu.memory_space<hbm>>) dst(%arg5 : memref<50x128xi32, #tpu.memory_space<vmem>>)
      tpu.yield
    }) : () -> ()
    %iota3A = tpu.iota {dimensions = array<i32: 0>} : vector<16xi32>
    %add3A_3 = arith.constant 0 : i32
    %add3A_4 = vector.broadcast %add3A_3 : i32 to vector<16xi32>
    %add3A_5 = arith.addi %iota3A, %add3A_4 : vector<16xi32>
    %jit3A = arith.constant 8 : i32
    %div3A = vector.broadcast %jit3A : i32 to vector<16xi32>
    %div3A_6 = arith.divsi %add3A_5, %div3A : vector<16xi32>
    %sign3A = arith.constant 0 : i32
    %sign3A_7 = vector.broadcast %sign3A : i32 to vector<16xi32>
    %sign3A_8 = arith.cmpi sgt, %add3A_5, %sign3A_7 : vector<16xi32>
    %sign3A_9 = arith.extui %sign3A_8 : vector<16xi1> to vector<16xi32>
    %sign3A_10 = arith.constant 0 : i32
    %sign3A_11 = vector.broadcast %sign3A_10 : i32 to vector<16xi32>
    %sign3A_12 = arith.cmpi slt, %add3A_5, %sign3A_11 : vector<16xi32>
    %sign3A_13 = arith.extui %sign3A_12 : vector<16xi1> to vector<16xi32>
    %sign3A_14 = arith.subi %sign3A_9, %sign3A_13 : vector<16xi32>
    %sign3A_15 = arith.constant 0 : i32
    %sign3A_16 = arith.cmpi sgt, %jit3A, %sign3A_15 : i32
    %sign3A_17 = arith.extui %sign3A_16 : i1 to i32
    %sign3A_18 = arith.constant 0 : i32
    %sign3A_19 = arith.cmpi slt, %jit3A, %sign3A_18 : i32
    %sign3A_20 = arith.extui %sign3A_19 : i1 to i32
    %sign3A_21 = arith.subi %sign3A_17, %sign3A_20 : i32
    %ne3A = vector.broadcast %sign3A_21 : i32 to vector<16xi32>
    %ne3A_22 = arith.cmpi ne, %sign3A_14, %ne3A : vector<16xi32>
    %rem3A = vector.broadcast %jit3A : i32 to vector<16xi32>
    %rem3A_23 = arith.remsi %add3A_5, %rem3A : vector<16xi32>
    %ne3A_24 = arith.constant 0 : i32
    %ne3A_25 = vector.broadcast %ne3A_24 : i32 to vector<16xi32>
    %ne3A_26 = arith.cmpi ne, %rem3A_23, %ne3A_25 : vector<16xi32>
    %and3A = arith.andi %ne3A_22, %ne3A_26 : vector<16xi1>
    %sub3A = arith.constant 1 : i32
    %sub3A_27 = vector.broadcast %sub3A : i32 to vector<16xi32>
    %sub3A_28 = arith.subi %div3A_6, %sub3A_27 : vector<16xi32>
    %select_n3A = arith.select %and3A, %sub3A_28, %div3A_6 : vector<16xi1>, vector<16xi32>
    %add3A_29 = arith.constant 16 : i32
    %add3A_30 = vector.broadcast %add3A_29 : i32 to vector<16xi32>
    %add3A_31 = arith.addi %iota3A, %add3A_30 : vector<16xi32>
    %jit3A_32 = arith.constant 8 : i32
    %div3A_33 = vector.broadcast %jit3A_32 : i32 to vector<16xi32>
    %div3A_34 = arith.divsi %add3A_31, %div3A_33 : vector<16xi32>
    %sign3A_35 = arith.constant 0 : i32
    %sign3A_36 = vector.broadcast %sign3A_35 : i32 to vector<16xi32>
    %sign3A_37 = arith.cmpi sgt, %add3A_31, %sign3A_36 : vector<16xi32>
    %sign3A_38 = arith.extui %sign3A_37 : vector<16xi1> to vector<16xi32>
    %sign3A_39 = arith.constant 0 : i32
    %sign3A_40 = vector.broadcast %sign3A_39 : i32 to vector<16xi32>
    %sign3A_41 = arith.cmpi slt, %add3A_31, %sign3A_40 : vector<16xi32>
    %sign3A_42 = arith.extui %sign3A_41 : vector<16xi1> to vector<16xi32>
    %sign3A_43 = arith.subi %sign3A_38, %sign3A_42 : vector<16xi32>
    %sign3A_44 = arith.constant 0 : i32
    %sign3A_45 = arith.cmpi sgt, %jit3A_32, %sign3A_44 : i32
    %sign3A_46 = arith.extui %sign3A_45 : i1 to i32
    %sign3A_47 = arith.constant 0 : i32
    %sign3A_48 = arith.cmpi slt, %jit3A_32, %sign3A_47 : i32
    %sign3A_49 = arith.extui %sign3A_48 : i1 to i32
    %sign3A_50 = arith.subi %sign3A_46, %sign3A_49 : i32
    %ne3A_51 = vector.broadcast %sign3A_50 : i32 to vector<16xi32>
    %ne3A_52 = arith.cmpi ne, %sign3A_43, %ne3A_51 : vector<16xi32>
    %rem3A_53 = vector.broadcast %jit3A_32 : i32 to vector<16xi32>
    %rem3A_54 = arith.remsi %add3A_31, %rem3A_53 : vector<16xi32>
    %ne3A_55 = arith.constant 0 : i32
    %ne3A_56 = vector.broadcast %ne3A_55 : i32 to vector<16xi32>
    %ne3A_57 = arith.cmpi ne, %rem3A_54, %ne3A_56 : vector<16xi32>
    %and3A_58 = arith.andi %ne3A_52, %ne3A_57 : vector<16xi1>
    %sub3A_59 = arith.constant 1 : i32
    %sub3A_60 = vector.broadcast %sub3A_59 : i32 to vector<16xi32>
    %sub3A_61 = arith.subi %div3A_34, %sub3A_60 : vector<16xi32>
    %select_n3A_62 = arith.select %and3A_58, %sub3A_61, %div3A_34 : vector<16xi1>, vector<16xi32>
    %add3A_63 = arith.constant 32 : i32
    %add3A_64 = vector.broadcast %add3A_63 : i32 to vector<16xi32>
    %add3A_65 = arith.addi %iota3A, %add3A_64 : vector<16xi32>
    %jit3A_66 = arith.constant 8 : i32
    %div3A_67 = vector.broadcast %jit3A_66 : i32 to vector<16xi32>
    %div3A_68 = arith.divsi %add3A_65, %div3A_67 : vector<16xi32>
    %sign3A_69 = arith.constant 0 : i32
    %sign3A_70 = vector.broadcast %sign3A_69 : i32 to vector<16xi32>
    %sign3A_71 = arith.cmpi sgt, %add3A_65, %sign3A_70 : vector<16xi32>
    %sign3A_72 = arith.extui %sign3A_71 : vector<16xi1> to vector<16xi32>
    %sign3A_73 = arith.constant 0 : i32
    %sign3A_74 = vector.broadcast %sign3A_73 : i32 to vector<16xi32>
    %sign3A_75 = arith.cmpi slt, %add3A_65, %sign3A_74 : vector<16xi32>
    %sign3A_76 = arith.extui %sign3A_75 : vector<16xi1> to vector<16xi32>
    %sign3A_77 = arith.subi %sign3A_72, %sign3A_76 : vector<16xi32>
    %sign3A_78 = arith.constant 0 : i32
    %sign3A_79 = arith.cmpi sgt, %jit3A_66, %sign3A_78 : i32
    %sign3A_80 = arith.extui %sign3A_79 : i1 to i32
    %sign3A_81 = arith.constant 0 : i32
    %sign3A_82 = arith.cmpi slt, %jit3A_66, %sign3A_81 : i32
    %sign3A_83 = arith.extui %sign3A_82 : i1 to i32
    %sign3A_84 = arith.subi %sign3A_80, %sign3A_83 : i32
    %ne3A_85 = vector.broadcast %sign3A_84 : i32 to vector<16xi32>
    %ne3A_86 = arith.cmpi ne, %sign3A_77, %ne3A_85 : vector<16xi32>
    %rem3A_87 = vector.broadcast %jit3A_66 : i32 to vector<16xi32>
    %rem3A_88 = arith.remsi %add3A_65, %rem3A_87 : vector<16xi32>
    %ne3A_89 = arith.constant 0 : i32
    %ne3A_90 = vector.broadcast %ne3A_89 : i32 to vector<16xi32>
    %ne3A_91 = arith.cmpi ne, %rem3A_88, %ne3A_90 : vector<16xi32>
    %and3A_92 = arith.andi %ne3A_86, %ne3A_91 : vector<16xi1>
    %sub3A_93 = arith.constant 1 : i32
    %sub3A_94 = vector.broadcast %sub3A_93 : i32 to vector<16xi32>
    %sub3A_95 = arith.subi %div3A_68, %sub3A_94 : vector<16xi32>
    %select_n3A_96 = arith.select %and3A_92, %sub3A_95, %div3A_68 : vector<16xi1>, vector<16xi32>
    %add3A_97 = arith.constant 48 : i32
    %add3A_98 = vector.broadcast %add3A_97 : i32 to vector<16xi32>
    %add3A_99 = arith.addi %iota3A, %add3A_98 : vector<16xi32>
    %jit3A_100 = arith.constant 8 : i32
    %div3A_101 = vector.broadcast %jit3A_100 : i32 to vector<16xi32>
    %div3A_102 = arith.divsi %add3A_99, %div3A_101 : vector<16xi32>
    %sign3A_103 = arith.constant 0 : i32
    %sign3A_104 = vector.broadcast %sign3A_103 : i32 to vector<16xi32>
    %sign3A_105 = arith.cmpi sgt, %add3A_99, %sign3A_104 : vector<16xi32>
    %sign3A_106 = arith.extui %sign3A_105 : vector<16xi1> to vector<16xi32>
    %sign3A_107 = arith.constant 0 : i32
    %sign3A_108 = vector.broadcast %sign3A_107 : i32 to vector<16xi32>
    %sign3A_109 = arith.cmpi slt, %add3A_99, %sign3A_108 : vector<16xi32>
    %sign3A_110 = arith.extui %sign3A_109 : vector<16xi1> to vector<16xi32>
    %sign3A_111 = arith.subi %sign3A_106, %sign3A_110 : vector<16xi32>
    %sign3A_112 = arith.constant 0 : i32
    %sign3A_113 = arith.cmpi sgt, %jit3A_100, %sign3A_112 : i32
    %sign3A_114 = arith.extui %sign3A_113 : i1 to i32
    %sign3A_115 = arith.constant 0 : i32
    %sign3A_116 = arith.cmpi slt, %jit3A_100, %sign3A_115 : i32
    %sign3A_117 = arith.extui %sign3A_116 : i1 to i32
    %sign3A_118 = arith.subi %sign3A_114, %sign3A_117 : i32
    %ne3A_119 = vector.broadcast %sign3A_118 : i32 to vector<16xi32>
    %ne3A_120 = arith.cmpi ne, %sign3A_111, %ne3A_119 : vector<16xi32>
    %rem3A_121 = vector.broadcast %jit3A_100 : i32 to vector<16xi32>
    %rem3A_122 = arith.remsi %add3A_99, %rem3A_121 : vector<16xi32>
    %ne3A_123 = arith.constant 0 : i32
    %ne3A_124 = vector.broadcast %ne3A_123 : i32 to vector<16xi32>
    %ne3A_125 = arith.cmpi ne, %rem3A_122, %ne3A_124 : vector<16xi32>
    %and3A_126 = arith.andi %ne3A_120, %ne3A_125 : vector<16xi1>
    %sub3A_127 = arith.constant 1 : i32
    %sub3A_128 = vector.broadcast %sub3A_127 : i32 to vector<16xi32>
    %sub3A_129 = arith.subi %div3A_102, %sub3A_128 : vector<16xi32>
    %select_n3A_130 = arith.select %and3A_126, %sub3A_129, %div3A_102 : vector<16xi1>, vector<16xi32>
    %add3A_131 = arith.constant 0 : i32
    %add3A_132 = vector.broadcast %add3A_131 : i32 to vector<16xi32>
    %add3A_133 = arith.addi %iota3A, %add3A_132 : vector<16xi32>
    %jit3A_134 = arith.constant 8 : i32
    %eq3A = arith.constant 0 : i32
    %eq3A_135 = arith.cmpi eq, %jit3A_134, %eq3A : i32
    %jit3A_136 = arith.constant 1 : i32
    %select_n3A_137 = arith.select %eq3A_135, %jit3A_136, %jit3A_134 : i32
    %rem3A_138 = vector.broadcast %select_n3A_137 : i32 to vector<16xi32>
    %rem3A_139 = arith.remsi %add3A_133, %rem3A_138 : vector<16xi32>
    %ne3A_140 = arith.constant 0 : i32
    %ne3A_141 = vector.broadcast %ne3A_140 : i32 to vector<16xi32>
    %ne3A_142 = arith.cmpi ne, %rem3A_139, %ne3A_141 : vector<16xi32>
    %lt3A = arith.constant 0 : i32
    %lt3A_143 = vector.broadcast %lt3A : i32 to vector<16xi32>
    %lt3A_144 = arith.cmpi slt, %rem3A_139, %lt3A_143 : vector<16xi32>
    %lt3A_145 = arith.constant 0 : i32
    %lt3A_146 = arith.cmpi slt, %select_n3A_137, %lt3A_145 : i32
    %ne3A_147 = vector.broadcast %lt3A_146 : i1 to vector<16xi1>
    %ne3A_148 = vector.broadcast %ne3A_147 : vector<16xi1> to vector<16xi1>
    %ne3A_149 = arith.xori %lt3A_144, %ne3A_148 : vector<16xi1>
    %and3A_150 = arith.andi %ne3A_149, %ne3A_142 : vector<16xi1>
    %add3A_151 = vector.broadcast %select_n3A_137 : i32 to vector<16xi32>
    %add3A_152 = arith.addi %rem3A_139, %add3A_151 : vector<16xi32>
    %select_n3A_153 = arith.select %and3A_150, %add3A_152, %rem3A_139 : vector<16xi1>, vector<16xi32>
    %add3A_154 = arith.constant 16 : i32
    %add3A_155 = vector.broadcast %add3A_154 : i32 to vector<16xi32>
    %add3A_156 = arith.addi %iota3A, %add3A_155 : vector<16xi32>
    %jit3A_157 = arith.constant 8 : i32
    %eq3A_158 = arith.constant 0 : i32
    %eq3A_159 = arith.cmpi eq, %jit3A_157, %eq3A_158 : i32
    %jit3A_160 = arith.constant 1 : i32
    %select_n3A_161 = arith.select %eq3A_159, %jit3A_160, %jit3A_157 : i32
    %rem3A_162 = vector.broadcast %select_n3A_161 : i32 to vector<16xi32>
    %rem3A_163 = arith.remsi %add3A_156, %rem3A_162 : vector<16xi32>
    %ne3A_164 = arith.constant 0 : i32
    %ne3A_165 = vector.broadcast %ne3A_164 : i32 to vector<16xi32>
    %ne3A_166 = arith.cmpi ne, %rem3A_163, %ne3A_165 : vector<16xi32>
    %lt3A_167 = arith.constant 0 : i32
    %lt3A_168 = vector.broadcast %lt3A_167 : i32 to vector<16xi32>
    %lt3A_169 = arith.cmpi slt, %rem3A_163, %lt3A_168 : vector<16xi32>
    %lt3A_170 = arith.constant 0 : i32
    %lt3A_171 = arith.cmpi slt, %select_n3A_161, %lt3A_170 : i32
    %ne3A_172 = vector.broadcast %lt3A_171 : i1 to vector<16xi1>
    %ne3A_173 = vector.broadcast %ne3A_172 : vector<16xi1> to vector<16xi1>
    %ne3A_174 = arith.xori %lt3A_169, %ne3A_173 : vector<16xi1>
    %and3A_175 = arith.andi %ne3A_174, %ne3A_166 : vector<16xi1>
    %add3A_176 = vector.broadcast %select_n3A_161 : i32 to vector<16xi32>
    %add3A_177 = arith.addi %rem3A_163, %add3A_176 : vector<16xi32>
    %select_n3A_178 = arith.select %and3A_175, %add3A_177, %rem3A_163 : vector<16xi1>, vector<16xi32>
    %add3A_179 = arith.constant 32 : i32
    %add3A_180 = vector.broadcast %add3A_179 : i32 to vector<16xi32>
    %add3A_181 = arith.addi %iota3A, %add3A_180 : vector<16xi32>
    %jit3A_182 = arith.constant 8 : i32
    %eq3A_183 = arith.constant 0 : i32
    %eq3A_184 = arith.cmpi eq, %jit3A_182, %eq3A_183 : i32
    %jit3A_185 = arith.constant 1 : i32
    %select_n3A_186 = arith.select %eq3A_184, %jit3A_185, %jit3A_182 : i32
    %rem3A_187 = vector.broadcast %select_n3A_186 : i32 to vector<16xi32>
    %rem3A_188 = arith.remsi %add3A_181, %rem3A_187 : vector<16xi32>
    %ne3A_189 = arith.constant 0 : i32
    %ne3A_190 = vector.broadcast %ne3A_189 : i32 to vector<16xi32>
    %ne3A_191 = arith.cmpi ne, %rem3A_188, %ne3A_190 : vector<16xi32>
    %lt3A_192 = arith.constant 0 : i32
    %lt3A_193 = vector.broadcast %lt3A_192 : i32 to vector<16xi32>
    %lt3A_194 = arith.cmpi slt, %rem3A_188, %lt3A_193 : vector<16xi32>
    %lt3A_195 = arith.constant 0 : i32
    %lt3A_196 = arith.cmpi slt, %select_n3A_186, %lt3A_195 : i32
    %ne3A_197 = vector.broadcast %lt3A_196 : i1 to vector<16xi1>
    %ne3A_198 = vector.broadcast %ne3A_197 : vector<16xi1> to vector<16xi1>
    %ne3A_199 = arith.xori %lt3A_194, %ne3A_198 : vector<16xi1>
    %and3A_200 = arith.andi %ne3A_199, %ne3A_191 : vector<16xi1>
    %add3A_201 = vector.broadcast %select_n3A_186 : i32 to vector<16xi32>
    %add3A_202 = arith.addi %rem3A_188, %add3A_201 : vector<16xi32>
    %select_n3A_203 = arith.select %and3A_200, %add3A_202, %rem3A_188 : vector<16xi1>, vector<16xi32>
    %add3A_204 = arith.constant 48 : i32
    %add3A_205 = vector.broadcast %add3A_204 : i32 to vector<16xi32>
    %add3A_206 = arith.addi %iota3A, %add3A_205 : vector<16xi32>
    %jit3A_207 = arith.constant 8 : i32
    %eq3A_208 = arith.constant 0 : i32
    %eq3A_209 = arith.cmpi eq, %jit3A_207, %eq3A_208 : i32
    %jit3A_210 = arith.constant 1 : i32
    %select_n3A_211 = arith.select %eq3A_209, %jit3A_210, %jit3A_207 : i32
    %rem3A_212 = vector.broadcast %select_n3A_211 : i32 to vector<16xi32>
    %rem3A_213 = arith.remsi %add3A_206, %rem3A_212 : vector<16xi32>
    %ne3A_214 = arith.constant 0 : i32
    %ne3A_215 = vector.broadcast %ne3A_214 : i32 to vector<16xi32>
    %ne3A_216 = arith.cmpi ne, %rem3A_213, %ne3A_215 : vector<16xi32>
    %lt3A_217 = arith.constant 0 : i32
    %lt3A_218 = vector.broadcast %lt3A_217 : i32 to vector<16xi32>
    %lt3A_219 = arith.cmpi slt, %rem3A_213, %lt3A_218 : vector<16xi32>
    %lt3A_220 = arith.constant 0 : i32
    %lt3A_221 = arith.cmpi slt, %select_n3A_211, %lt3A_220 : i32
    %ne3A_222 = vector.broadcast %lt3A_221 : i1 to vector<16xi1>
    %ne3A_223 = vector.broadcast %ne3A_222 : vector<16xi1> to vector<16xi1>
    %ne3A_224 = arith.xori %lt3A_219, %ne3A_223 : vector<16xi1>
    %and3A_225 = arith.andi %ne3A_224, %ne3A_216 : vector<16xi1>
    %add3A_226 = vector.broadcast %select_n3A_211 : i32 to vector<16xi32>
    %add3A_227 = arith.addi %rem3A_213, %add3A_226 : vector<16xi32>
    %select_n3A_228 = arith.select %and3A_225, %add3A_227, %rem3A_213 : vector<16xi1>, vector<16xi32>
    %dma_start3A = arith.constant 0 : i32
    %dma_start3A_229 = arith.constant 0 : i32
    %dma_start3A_230 = tpu.memref_slice %arg5[%dma_start3A, %dma_start3A_229] : memref<50x128xi32, #tpu.memory_space<vmem>> -> memref<1x128xi32, #tpu.memory_space<vmem>>
    %dma_start3A_231 = tpu.memref_squeeze %dma_start3A_230 : memref<1x128xi32, #tpu.memory_space<vmem>> -> memref<128xi32, #tpu.memory_space<vmem>>
    %dma_start3A_232 = arith.constant 0 : i32
    %dma_start3A_233 = arith.constant 0 : i32
    %dma_start3A_234 = tpu.memref_slice %arg2[%dma_start3A_232, %dma_start3A_233] : memref<200000x64xf32, #tpu.memory_space<hbm>> -> memref<200000x64xf32, #tpu.memory_space<hbm>>
    tpu.enqueue_indirect_dma source(%dma_start3A_234 : memref<200000x64xf32, #tpu.memory_space<hbm>>) target(%arg6 : memref<128x64xf32, #tpu.memory_space<vmem>>) offsets(%dma_start3A_231 : memref<128xi32, #tpu.memory_space<vmem>>) semaphore(%arg10 : memref<!tpu.dma_semaphore, #tpu.memory_space<semaphore_mem>>)
    %scan3A = arith.constant 0 : i32
    %scan3A_235 = arith.constant 25 : i32
    %scan3A_236 = arith.addi %scan3A, %scan3A_235 : i32
    %scan3A_237 = arith.constant 1 : i32
    scf.for %scan3A_276 = %scan3A to %scan3A_236 step %scan3A_237  : i32 {
      %mul3A_277 = arith.constant 1 : i32
      %mul3A_278 = arith.muli %scan3A_276, %mul3A_277 : i32
      %add3A_279 = arith.constant 0 : i32
      %add3A_280 = arith.addi %add3A_279, %mul3A_278 : i32
      %mul3A_281 = arith.constant 2 : i32
      %mul3A_282 = arith.muli %add3A_280, %mul3A_281 : i32
      %add3A_283 = arith.constant 1 : i32
      %add3A_284 = arith.addi %mul3A_282, %add3A_283 : i32
      %dma_start3A_285 = arith.constant 0 : i32
      %dma_start3A_286 = tpu.memref_slice %arg5[%add3A_284, %dma_start3A_285] : memref<50x128xi32, #tpu.memory_space<vmem>> -> memref<1x128xi32, #tpu.memory_space<vmem>>
      %dma_start3A_287 = tpu.memref_squeeze %dma_start3A_286 : memref<1x128xi32, #tpu.memory_space<vmem>> -> memref<128xi32, #tpu.memory_space<vmem>>
      %dma_start3A_288 = arith.constant 0 : i32
      %dma_start3A_289 = arith.constant 0 : i32
      %dma_start3A_290 = tpu.memref_slice %arg2[%dma_start3A_288, %dma_start3A_289] : memref<200000x64xf32, #tpu.memory_space<hbm>> -> memref<200000x64xf32, #tpu.memory_space<hbm>>
      tpu.enqueue_indirect_dma source(%dma_start3A_290 : memref<200000x64xf32, #tpu.memory_space<hbm>>) target(%arg7 : memref<128x64xf32, #tpu.memory_space<vmem>>) offsets(%dma_start3A_287 : memref<128xi32, #tpu.memory_space<vmem>>) semaphore(%arg11 : memref<!tpu.dma_semaphore, #tpu.memory_space<semaphore_mem>>)
      %dma_wait3A_291 = arith.constant 0 : i32
      %dma_wait3A_292 = arith.constant 0 : i32
      %dma_wait3A_293 = tpu.memref_slice %arg5[%dma_wait3A_291, %dma_wait3A_292] : memref<50x128xi32, #tpu.memory_space<vmem>> -> memref<1x128xi32, #tpu.memory_space<vmem>>
      %dma_wait3A_294 = tpu.memref_squeeze %dma_wait3A_293 : memref<1x128xi32, #tpu.memory_space<vmem>> -> memref<128xi32, #tpu.memory_space<vmem>>
      %dma_wait3A_295 = arith.constant 0 : i32
      %dma_wait3A_296 = arith.constant 0 : i32
      %dma_wait3A_297 = tpu.memref_slice %arg2[%dma_wait3A_295, %dma_wait3A_296] : memref<200000x64xf32, #tpu.memory_space<hbm>> -> memref<200000x64xf32, #tpu.memory_space<hbm>>
      tpu.wait_indirect_dma semaphore(%arg10 : memref<!tpu.dma_semaphore, #tpu.memory_space<semaphore_mem>>) src(%dma_wait3A_297 : memref<200000x64xf32, #tpu.memory_space<hbm>>) dst(%arg6 : memref<128x64xf32, #tpu.memory_space<vmem>>)
      %gt3A = arith.constant 0 : i32
      %gt3A_298 = arith.cmpi sgt, %add3A_280, %gt3A : i32
      %convert_element_type3A = arith.extui %gt3A_298 : i1 to i32
      %cond3A = arith.constant 0 : i32
      %cond3A_299 = arith.cmpi ne, %convert_element_type3A, %cond3A : i32
      scf.if %cond3A_299 {
        %dma_wait3A_363 = arith.constant 0 : i32
        %dma_wait3A_364 = arith.constant 0 : i32
        %dma_wait3A_365 = arith.constant 0 : i32
        %dma_wait3A_366 = tpu.memref_slice %arg8[%dma_wait3A_363, %dma_wait3A_364, %dma_wait3A_365] : memref<8x8x129xf32, #tpu.memory_space<vmem>> -> memref<8x8x128xf32, #tpu.memory_space<vmem>>
        %dma_wait3A_367 = arith.constant 0 : i32
        %dma_wait3A_368 = arith.constant 0 : i32
        %dma_wait3A_369 = arith.constant 0 : i32
        %dma_wait3A_370 = tpu.memref_slice %arg4[%mul3A_282, %dma_wait3A_367, %add3A, %dma_wait3A_368, %dma_wait3A_369] : memref<50x8x32x8x128xf32, #tpu.memory_space<hbm>> -> memref<1x8x1x8x128xf32, #tpu.memory_space<hbm>>
        %dma_wait3A_371 = tpu.memref_squeeze %dma_wait3A_370 : memref<1x8x1x8x128xf32, #tpu.memory_space<hbm>> -> memref<8x8x128xf32, #tpu.memory_space<hbm>>
        %dma_wait3A_372 = arith.constant 0 : i32
        %dma_wait3A_373 = arith.constant 0 : i32
        %dma_wait3A_374 = arith.constant 0 : i32
        %dma_wait3A_375 = tpu.memref_slice %arg4[%mul3A_282, %dma_wait3A_372, %add3A, %dma_wait3A_373, %dma_wait3A_374] : memref<50x8x32x8x128xf32, #tpu.memory_space<hbm>> -> memref<1x8x1x8x128xf32, #tpu.memory_space<hbm>>
        %dma_wait3A_376 = tpu.memref_squeeze %dma_wait3A_375 : memref<1x8x1x8x128xf32, #tpu.memory_space<hbm>> -> memref<8x8x128xf32, #tpu.memory_space<hbm>>
        %dma_wait3A_377 = arith.constant 0 : i32
        %dma_wait3A_378 = arith.constant 0 : i32
        %dma_wait3A_379 = arith.constant 0 : i32
        %dma_wait3A_380 = tpu.memref_slice %arg8[%dma_wait3A_377, %dma_wait3A_378, %dma_wait3A_379] : memref<8x8x129xf32, #tpu.memory_space<vmem>> -> memref<8x8x128xf32, #tpu.memory_space<vmem>>
        tpu.wait_dma2 semaphore(%arg12 : memref<!tpu.dma_semaphore, #tpu.memory_space<semaphore_mem>>) src(%dma_wait3A_380 : memref<8x8x128xf32, #tpu.memory_space<vmem>>) dst(%dma_wait3A_376 : memref<8x8x128xf32, #tpu.memory_space<hbm>>)
      } else {
      }
      %scan3A_300 = arith.constant 0 : i32
      %scan3A_301 = arith.constant 64 : i32
      %scan3A_302 = arith.addi %scan3A_300, %scan3A_301 : i32
      %scan3A_303 = arith.constant 1 : i32
      scf.for %scan3A_363 = %scan3A_300 to %scan3A_302 step %scan3A_303  : i32 {
        %mul3A_364 = arith.constant 2 : i32
        %mul3A_365 = arith.muli %scan3A_363, %mul3A_364 : i32
        %add3A_366 = arith.constant 0 : i32
        %add3A_367 = arith.addi %add3A_366, %mul3A_365 : i32
        %broadcast_in_dim3A = arith.constant 1 : i32
        %broadcast_in_dim3A_368 = vector.broadcast %broadcast_in_dim3A : i32 to vector<16xi32>
        %add3A_369 = arith.constant 0 : i32
        %add3A_370 = arith.addi %add3A_367, %add3A_369 : i32
        %mul3A_371 = vector.broadcast %add3A_370 : i32 to vector<16xi32>
        %mul3A_372 = arith.muli %broadcast_in_dim3A_368, %mul3A_371 : vector<16xi32>
        %add3A_373 = arith.constant 0 : i32
        %add3A_374 = arith.addi %add3A_367, %add3A_373 : i32
        %get3A = arith.index_cast %add3A_374 : i32 to index
        %get3A_375 = arith.constant 0 : index
        %get3A_376 = tpu.vector_load %arg6[%get3A, %get3A_375] {strides = array<i32>} : memref<128x64xf32, #tpu.memory_space<vmem>>, vector<16xf32>,
        tpu.vector_store_idx %arg8[%select_n3A, %select_n3A_153, %mul3A_372], %get3A_376 : memref<8x8x129xf32, #tpu.memory_space<vmem>>[vector<16xi32>, vector<16xi32>, vector<16xi32>], vector<16xf32>,
        %add3A_377 = arith.constant 0 : i32
        %add3A_378 = arith.addi %add3A_367, %add3A_377 : i32
        %get3A_379 = arith.index_cast %add3A_378 : i32 to index
        %get3A_380 = arith.constant 16 : index
        %get3A_381 = tpu.vector_load %arg6[%get3A_379, %get3A_380] {strides = array<i32>} : memref<128x64xf32, #tpu.memory_space<vmem>>, vector<16xf32>,
        tpu.vector_store_idx %arg8[%select_n3A_62, %select_n3A_178, %mul3A_372], %get3A_381 : memref<8x8x129xf32, #tpu.memory_space<vmem>>[vector<16xi32>, vector<16xi32>, vector<16xi32>], vector<16xf32>,
        %add3A_382 = arith.constant 0 : i32
        %add3A_383 = arith.addi %add3A_367, %add3A_382 : i32
        %get3A_384 = arith.index_cast %add3A_383 : i32 to index
        %get3A_385 = arith.constant 32 : index
        %get3A_386 = tpu.vector_load %arg6[%get3A_384, %get3A_385] {strides = array<i32>} : memref<128x64xf32, #tpu.memory_space<vmem>>, vector<16xf32>,
        tpu.vector_store_idx %arg8[%select_n3A_96, %select_n3A_203, %mul3A_372], %get3A_386 : memref<8x8x129xf32, #tpu.memory_space<vmem>>[vector<16xi32>, vector<16xi32>, vector<16xi32>], vector<16xf32>,
        %add3A_387 = arith.constant 0 : i32
        %add3A_388 = arith.addi %add3A_367, %add3A_387 : i32
        %get3A_389 = arith.index_cast %add3A_388 : i32 to index
        %get3A_390 = arith.constant 48 : index
        %get3A_391 = tpu.vector_load %arg6[%get3A_389, %get3A_390] {strides = array<i32>} : memref<128x64xf32, #tpu.memory_space<vmem>>, vector<16xf32>,
        tpu.vector_store_idx %arg8[%select_n3A_130, %select_n3A_228, %mul3A_372], %get3A_391 : memref<8x8x129xf32, #tpu.memory_space<vmem>>[vector<16xi32>, vector<16xi32>, vector<16xi32>], vector<16xf32>,
        %broadcast_in_dim3A_392 = arith.constant 1 : i32
        %broadcast_in_dim3A_393 = vector.broadcast %broadcast_in_dim3A_392 : i32 to vector<16xi32>
        %add3A_394 = arith.constant 1 : i32
        %add3A_395 = arith.addi %add3A_367, %add3A_394 : i32
        %mul3A_396 = vector.broadcast %add3A_395 : i32 to vector<16xi32>
        %mul3A_397 = arith.muli %broadcast_in_dim3A_393, %mul3A_396 : vector<16xi32>
        %add3A_398 = arith.constant 1 : i32
        %add3A_399 = arith.addi %add3A_367, %add3A_398 : i32
        %get3A_400 = arith.index_cast %add3A_399 : i32 to index
        %get3A_401 = arith.constant 0 : index
        %get3A_402 = tpu.vector_load %arg6[%get3A_400, %get3A_401] {strides = array<i32>} : memref<128x64xf32, #tpu.memory_space<vmem>>, vector<16xf32>,
        tpu.vector_store_idx %arg8[%select_n3A, %select_n3A_153, %mul3A_397], %get3A_402 : memref<8x8x129xf32, #tpu.memory_space<vmem>>[vector<16xi32>, vector<16xi32>, vector<16xi32>], vector<16xf32>,
        %add3A_403 = arith.constant 1 : i32
        %add3A_404 = arith.addi %add3A_367, %add3A_403 : i32
        %get3A_405 = arith.index_cast %add3A_404 : i32 to index
        %get3A_406 = arith.constant 16 : index
        %get3A_407 = tpu.vector_load %arg6[%get3A_405, %get3A_406] {strides = array<i32>} : memref<128x64xf32, #tpu.memory_space<vmem>>, vector<16xf32>,
        tpu.vector_store_idx %arg8[%select_n3A_62, %select_n3A_178, %mul3A_397], %get3A_407 : memref<8x8x129xf32, #tpu.memory_space<vmem>>[vector<16xi32>, vector<16xi32>, vector<16xi32>], vector<16xf32>,
        %add3A_408 = arith.constant 1 : i32
        %add3A_409 = arith.addi %add3A_367, %add3A_408 : i32
        %get3A_410 = arith.index_cast %add3A_409 : i32 to index
        %get3A_411 = arith.constant 32 : index
        %get3A_412 = tpu.vector_load %arg6[%get3A_410, %get3A_411] {strides = array<i32>} : memref<128x64xf32, #tpu.memory_space<vmem>>, vector<16xf32>,
        tpu.vector_store_idx %arg8[%select_n3A_96, %select_n3A_203, %mul3A_397], %get3A_412 : memref<8x8x129xf32, #tpu.memory_space<vmem>>[vector<16xi32>, vector<16xi32>, vector<16xi32>], vector<16xf32>,
        %add3A_413 = arith.constant 1 : i32
        %add3A_414 = arith.addi %add3A_367, %add3A_413 : i32
        %get3A_415 = arith.index_cast %add3A_414 : i32 to index
        %get3A_416 = arith.constant 48 : index
        %get3A_417 = tpu.vector_load %arg6[%get3A_415, %get3A_416] {strides = array<i32>} : memref<128x64xf32, #tpu.memory_space<vmem>>, vector<16xf32>,
        tpu.vector_store_idx %arg8[%select_n3A_130, %select_n3A_228, %mul3A_397], %get3A_417 : memref<8x8x129xf32, #tpu.memory_space<vmem>>[vector<16xi32>, vector<16xi32>, vector<16xi32>], vector<16xf32>,
      }
      %scan3A_304 = arith.constant 64 : i32
      %dma_start3A_305 = arith.constant 0 : i32
      %dma_start3A_306 = arith.constant 0 : i32
      %dma_start3A_307 = arith.constant 0 : i32
      %dma_start3A_308 = tpu.memref_slice %arg8[%dma_start3A_305, %dma_start3A_306, %dma_start3A_307] : memref<8x8x129xf32, #tpu.memory_space<vmem>> -> memref<8x8x128xf32, #tpu.memory_space<vmem>>
      %dma_start3A_309 = arith.constant 0 : i32
      %dma_start3A_310 = arith.constant 0 : i32
      %dma_start3A_311 = arith.constant 0 : i32
      %dma_start3A_312 = tpu.memref_slice %arg4[%mul3A_282, %dma_start3A_309, %add3A, %dma_start3A_310, %dma_start3A_311] : memref<50x8x32x8x128xf32, #tpu.memory_space<hbm>> -> memref<1x8x1x8x128xf32, #tpu.memory_space<hbm>>
      %dma_start3A_313 = tpu.memref_squeeze %dma_start3A_312 : memref<1x8x1x8x128xf32, #tpu.memory_space<hbm>> -> memref<8x8x128xf32, #tpu.memory_space<hbm>>
      %dma_start3A_314 = arith.constant 0 : i32
      %dma_start3A_315 = arith.constant 0 : i32
      %dma_start3A_316 = arith.constant 0 : i32
      %dma_start3A_317 = tpu.memref_slice %arg4[%mul3A_282, %dma_start3A_314, %add3A, %dma_start3A_315, %dma_start3A_316] : memref<50x8x32x8x128xf32, #tpu.memory_space<hbm>> -> memref<1x8x1x8x128xf32, #tpu.memory_space<hbm>>
      %dma_start3A_318 = tpu.memref_squeeze %dma_start3A_317 : memref<1x8x1x8x128xf32, #tpu.memory_space<hbm>> -> memref<8x8x128xf32, #tpu.memory_space<hbm>>
      %dma_start3A_319 = arith.constant 0 : i32
      %dma_start3A_320 = arith.constant 0 : i32
      %dma_start3A_321 = arith.constant 0 : i32
      %dma_start3A_322 = tpu.memref_slice %arg8[%dma_start3A_319, %dma_start3A_320, %dma_start3A_321] : memref<8x8x129xf32, #tpu.memory_space<vmem>> -> memref<8x8x128xf32, #tpu.memory_space<vmem>>
      tpu.enqueue_dma source(%dma_start3A_322 : memref<8x8x128xf32, #tpu.memory_space<vmem>>) target(%dma_start3A_318 : memref<8x8x128xf32, #tpu.memory_space<hbm>>) target_semaphore(%arg12 : memref<!tpu.dma_semaphore, #tpu.memory_space<semaphore_mem>>)
      %lt3A_323 = arith.constant 24 : i32
      %lt3A_324 = arith.cmpi slt, %add3A_280, %lt3A_323 : i32
      %convert_element_type3A_325 = arith.extui %lt3A_324 : i1 to i32
      %cond3A_326 = arith.constant 0 : i32
      %cond3A_327 = arith.cmpi ne, %convert_element_type3A_325, %cond3A_326 : i32
      scf.if %cond3A_327 {
        %add3A_363 = arith.constant 2 : i32
        %add3A_364 = arith.addi %mul3A_282, %add3A_363 : i32
        %dma_start3A_365 = arith.constant 0 : i32
        %dma_start3A_366 = tpu.memref_slice %arg5[%add3A_364, %dma_start3A_365] : memref<50x128xi32, #tpu.memory_space<vmem>> -> memref<1x128xi32, #tpu.memory_space<vmem>>
        %dma_start3A_367 = tpu.memref_squeeze %dma_start3A_366 : memref<1x128xi32, #tpu.memory_space<vmem>> -> memref<128xi32, #tpu.memory_space<vmem>>
        %dma_start3A_368 = arith.constant 0 : i32
        %dma_start3A_369 = arith.constant 0 : i32
        %dma_start3A_370 = tpu.memref_slice %arg2[%dma_start3A_368, %dma_start3A_369] : memref<200000x64xf32, #tpu.memory_space<hbm>> -> memref<200000x64xf32, #tpu.memory_space<hbm>>
        tpu.enqueue_indirect_dma source(%dma_start3A_370 : memref<200000x64xf32, #tpu.memory_space<hbm>>) target(%arg6 : memref<128x64xf32, #tpu.memory_space<vmem>>) offsets(%dma_start3A_367 : memref<128xi32, #tpu.memory_space<vmem>>) semaphore(%arg10 : memref<!tpu.dma_semaphore, #tpu.memory_space<semaphore_mem>>)
      } else {
      }
      %dma_wait3A_328 = arith.constant 0 : i32
      %dma_wait3A_329 = arith.constant 0 : i32
      %dma_wait3A_330 = tpu.memref_slice %arg5[%dma_wait3A_328, %dma_wait3A_329] : memref<50x128xi32, #tpu.memory_space<vmem>> -> memref<1x128xi32, #tpu.memory_space<vmem>>
      %dma_wait3A_331 = tpu.memref_squeeze %dma_wait3A_330 : memref<1x128xi32, #tpu.memory_space<vmem>> -> memref<128xi32, #tpu.memory_space<vmem>>
      %dma_wait3A_332 = arith.constant 0 : i32
      %dma_wait3A_333 = arith.constant 0 : i32
      %dma_wait3A_334 = tpu.memref_slice %arg2[%dma_wait3A_332, %dma_wait3A_333] : memref<200000x64xf32, #tpu.memory_space<hbm>> -> memref<200000x64xf32, #tpu.memory_space<hbm>>
      tpu.wait_indirect_dma semaphore(%arg11 : memref<!tpu.dma_semaphore, #tpu.memory_space<semaphore_mem>>) src(%dma_wait3A_334 : memref<200000x64xf32, #tpu.memory_space<hbm>>) dst(%arg7 : memref<128x64xf32, #tpu.memory_space<vmem>>)
      %gt3A_335 = arith.constant 0 : i32
      %gt3A_336 = arith.cmpi sgt, %add3A_280, %gt3A_335 : i32
      %convert_element_type3A_337 = arith.extui %gt3A_336 : i1 to i32
      %cond3A_338 = arith.constant 0 : i32
      %cond3A_339 = arith.cmpi ne, %convert_element_type3A_337, %cond3A_338 : i32
      scf.if %cond3A_339 {
        %dma_wait3A_363 = arith.constant 0 : i32
        %dma_wait3A_364 = arith.constant 0 : i32
        %dma_wait3A_365 = arith.constant 0 : i32
        %dma_wait3A_366 = tpu.memref_slice %arg9[%dma_wait3A_363, %dma_wait3A_364, %dma_wait3A_365] : memref<8x8x129xf32, #tpu.memory_space<vmem>> -> memref<8x8x128xf32, #tpu.memory_space<vmem>>
        %dma_wait3A_367 = arith.constant 0 : i32
        %dma_wait3A_368 = arith.constant 0 : i32
        %dma_wait3A_369 = arith.constant 0 : i32
        %dma_wait3A_370 = tpu.memref_slice %arg4[%add3A_284, %dma_wait3A_367, %add3A, %dma_wait3A_368, %dma_wait3A_369] : memref<50x8x32x8x128xf32, #tpu.memory_space<hbm>> -> memref<1x8x1x8x128xf32, #tpu.memory_space<hbm>>
        %dma_wait3A_371 = tpu.memref_squeeze %dma_wait3A_370 : memref<1x8x1x8x128xf32, #tpu.memory_space<hbm>> -> memref<8x8x128xf32, #tpu.memory_space<hbm>>
        %dma_wait3A_372 = arith.constant 0 : i32
        %dma_wait3A_373 = arith.constant 0 : i32
        %dma_wait3A_374 = arith.constant 0 : i32
        %dma_wait3A_375 = tpu.memref_slice %arg4[%add3A_284, %dma_wait3A_372, %add3A, %dma_wait3A_373, %dma_wait3A_374] : memref<50x8x32x8x128xf32, #tpu.memory_space<hbm>> -> memref<1x8x1x8x128xf32, #tpu.memory_space<hbm>>
        %dma_wait3A_376 = tpu.memref_squeeze %dma_wait3A_375 : memref<1x8x1x8x128xf32, #tpu.memory_space<hbm>> -> memref<8x8x128xf32, #tpu.memory_space<hbm>>
        %dma_wait3A_377 = arith.constant 0 : i32
        %dma_wait3A_378 = arith.constant 0 : i32
        %dma_wait3A_379 = arith.constant 0 : i32
        %dma_wait3A_380 = tpu.memref_slice %arg9[%dma_wait3A_377, %dma_wait3A_378, %dma_wait3A_379] : memref<8x8x129xf32, #tpu.memory_space<vmem>> -> memref<8x8x128xf32, #tpu.memory_space<vmem>>
        tpu.wait_dma2 semaphore(%arg13 : memref<!tpu.dma_semaphore, #tpu.memory_space<semaphore_mem>>) src(%dma_wait3A_380 : memref<8x8x128xf32, #tpu.memory_space<vmem>>) dst(%dma_wait3A_376 : memref<8x8x128xf32, #tpu.memory_space<hbm>>)
      } else {
      }
      %scan3A_340 = arith.constant 0 : i32
      %scan3A_341 = arith.constant 64 : i32
      %scan3A_342 = arith.addi %scan3A_340, %scan3A_341 : i32
      %scan3A_343 = arith.constant 1 : i32
      scf.for %scan3A_363 = %scan3A_340 to %scan3A_342 step %scan3A_343  : i32 {
        %mul3A_364 = arith.constant 2 : i32
        %mul3A_365 = arith.muli %scan3A_363, %mul3A_364 : i32
        %add3A_366 = arith.constant 0 : i32
        %add3A_367 = arith.addi %add3A_366, %mul3A_365 : i32
        %broadcast_in_dim3A = arith.constant 1 : i32
        %broadcast_in_dim3A_368 = vector.broadcast %broadcast_in_dim3A : i32 to vector<16xi32>
        %add3A_369 = arith.constant 0 : i32
        %add3A_370 = arith.addi %add3A_367, %add3A_369 : i32
        %mul3A_371 = vector.broadcast %add3A_370 : i32 to vector<16xi32>
        %mul3A_372 = arith.muli %broadcast_in_dim3A_368, %mul3A_371 : vector<16xi32>
        %add3A_373 = arith.constant 0 : i32
        %add3A_374 = arith.addi %add3A_367, %add3A_373 : i32
        %get3A = arith.index_cast %add3A_374 : i32 to index
        %get3A_375 = arith.constant 0 : index
        %get3A_376 = tpu.vector_load %arg7[%get3A, %get3A_375] {strides = array<i32>} : memref<128x64xf32, #tpu.memory_space<vmem>>, vector<16xf32>,
        tpu.vector_store_idx %arg9[%select_n3A, %select_n3A_153, %mul3A_372], %get3A_376 : memref<8x8x129xf32, #tpu.memory_space<vmem>>[vector<16xi32>, vector<16xi32>, vector<16xi32>], vector<16xf32>,
        %add3A_377 = arith.constant 0 : i32
        %add3A_378 = arith.addi %add3A_367, %add3A_377 : i32
        %get3A_379 = arith.index_cast %add3A_378 : i32 to index
        %get3A_380 = arith.constant 16 : index
        %get3A_381 = tpu.vector_load %arg7[%get3A_379, %get3A_380] {strides = array<i32>} : memref<128x64xf32, #tpu.memory_space<vmem>>, vector<16xf32>,
        tpu.vector_store_idx %arg9[%select_n3A_62, %select_n3A_178, %mul3A_372], %get3A_381 : memref<8x8x129xf32, #tpu.memory_space<vmem>>[vector<16xi32>, vector<16xi32>, vector<16xi32>], vector<16xf32>,
        %add3A_382 = arith.constant 0 : i32
        %add3A_383 = arith.addi %add3A_367, %add3A_382 : i32
        %get3A_384 = arith.index_cast %add3A_383 : i32 to index
        %get3A_385 = arith.constant 32 : index
        %get3A_386 = tpu.vector_load %arg7[%get3A_384, %get3A_385] {strides = array<i32>} : memref<128x64xf32, #tpu.memory_space<vmem>>, vector<16xf32>,
        tpu.vector_store_idx %arg9[%select_n3A_96, %select_n3A_203, %mul3A_372], %get3A_386 : memref<8x8x129xf32, #tpu.memory_space<vmem>>[vector<16xi32>, vector<16xi32>, vector<16xi32>], vector<16xf32>,
        %add3A_387 = arith.constant 0 : i32
        %add3A_388 = arith.addi %add3A_367, %add3A_387 : i32
        %get3A_389 = arith.index_cast %add3A_388 : i32 to index
        %get3A_390 = arith.constant 48 : index
        %get3A_391 = tpu.vector_load %arg7[%get3A_389, %get3A_390] {strides = array<i32>} : memref<128x64xf32, #tpu.memory_space<vmem>>, vector<16xf32>,
        tpu.vector_store_idx %arg9[%select_n3A_130, %select_n3A_228, %mul3A_372], %get3A_391 : memref<8x8x129xf32, #tpu.memory_space<vmem>>[vector<16xi32>, vector<16xi32>, vector<16xi32>], vector<16xf32>,
        %broadcast_in_dim3A_392 = arith.constant 1 : i32
        %broadcast_in_dim3A_393 = vector.broadcast %broadcast_in_dim3A_392 : i32 to vector<16xi32>
        %add3A_394 = arith.constant 1 : i32
        %add3A_395 = arith.addi %add3A_367, %add3A_394 : i32
        %mul3A_396 = vector.broadcast %add3A_395 : i32 to vector<16xi32>
        %mul3A_397 = arith.muli %broadcast_in_dim3A_393, %mul3A_396 : vector<16xi32>
        %add3A_398 = arith.constant 1 : i32
        %add3A_399 = arith.addi %add3A_367, %add3A_398 : i32
        %get3A_400 = arith.index_cast %add3A_399 : i32 to index
        %get3A_401 = arith.constant 0 : index
        %get3A_402 = tpu.vector_load %arg7[%get3A_400, %get3A_401] {strides = array<i32>} : memref<128x64xf32, #tpu.memory_space<vmem>>, vector<16xf32>,
        tpu.vector_store_idx %arg9[%select_n3A, %select_n3A_153, %mul3A_397], %get3A_402 : memref<8x8x129xf32, #tpu.memory_space<vmem>>[vector<16xi32>, vector<16xi32>, vector<16xi32>], vector<16xf32>,
        %add3A_403 = arith.constant 1 : i32
        %add3A_404 = arith.addi %add3A_367, %add3A_403 : i32
        %get3A_405 = arith.index_cast %add3A_404 : i32 to index
        %get3A_406 = arith.constant 16 : index
        %get3A_407 = tpu.vector_load %arg7[%get3A_405, %get3A_406] {strides = array<i32>} : memref<128x64xf32, #tpu.memory_space<vmem>>, vector<16xf32>,
        tpu.vector_store_idx %arg9[%select_n3A_62, %select_n3A_178, %mul3A_397], %get3A_407 : memref<8x8x129xf32, #tpu.memory_space<vmem>>[vector<16xi32>, vector<16xi32>, vector<16xi32>], vector<16xf32>,
        %add3A_408 = arith.constant 1 : i32
        %add3A_409 = arith.addi %add3A_367, %add3A_408 : i32
        %get3A_410 = arith.index_cast %add3A_409 : i32 to index
        %get3A_411 = arith.constant 32 : index
        %get3A_412 = tpu.vector_load %arg7[%get3A_410, %get3A_411] {strides = array<i32>} : memref<128x64xf32, #tpu.memory_space<vmem>>, vector<16xf32>,
        tpu.vector_store_idx %arg9[%select_n3A_96, %select_n3A_203, %mul3A_397], %get3A_412 : memref<8x8x129xf32, #tpu.memory_space<vmem>>[vector<16xi32>, vector<16xi32>, vector<16xi32>], vector<16xf32>,
        %add3A_413 = arith.constant 1 : i32
        %add3A_414 = arith.addi %add3A_367, %add3A_413 : i32
        %get3A_415 = arith.index_cast %add3A_414 : i32 to index
        %get3A_416 = arith.constant 48 : index
        %get3A_417 = tpu.vector_load %arg7[%get3A_415, %get3A_416] {strides = array<i32>} : memref<128x64xf32, #tpu.memory_space<vmem>>, vector<16xf32>,
        tpu.vector_store_idx %arg9[%select_n3A_130, %select_n3A_228, %mul3A_397], %get3A_417 : memref<8x8x129xf32, #tpu.memory_space<vmem>>[vector<16xi32>, vector<16xi32>, vector<16xi32>], vector<16xf32>,
      }
      %scan3A_344 = arith.constant 64 : i32
      %dma_start3A_345 = arith.constant 0 : i32
      %dma_start3A_346 = arith.constant 0 : i32
      %dma_start3A_347 = arith.constant 0 : i32
      %dma_start3A_348 = tpu.memref_slice %arg9[%dma_start3A_345, %dma_start3A_346, %dma_start3A_347] : memref<8x8x129xf32, #tpu.memory_space<vmem>> -> memref<8x8x128xf32, #tpu.memory_space<vmem>>
      %dma_start3A_349 = arith.constant 0 : i32
      %dma_start3A_350 = arith.constant 0 : i32
      %dma_start3A_351 = arith.constant 0 : i32
      %dma_start3A_352 = tpu.memref_slice %arg4[%add3A_284, %dma_start3A_349, %add3A, %dma_start3A_350, %dma_start3A_351] : memref<50x8x32x8x128xf32, #tpu.memory_space<hbm>> -> memref<1x8x1x8x128xf32, #tpu.memory_space<hbm>>
      %dma_start3A_353 = tpu.memref_squeeze %dma_start3A_352 : memref<1x8x1x8x128xf32, #tpu.memory_space<hbm>> -> memref<8x8x128xf32, #tpu.memory_space<hbm>>
      %dma_start3A_354 = arith.constant 0 : i32
      %dma_start3A_355 = arith.constant 0 : i32
      %dma_start3A_356 = arith.constant 0 : i32
      %dma_start3A_357 = tpu.memref_slice %arg4[%add3A_284, %dma_start3A_354, %add3A, %dma_start3A_355, %dma_start3A_356] : memref<50x8x32x8x128xf32, #tpu.memory_space<hbm>> -> memref<1x8x1x8x128xf32, #tpu.memory_space<hbm>>
      %dma_start3A_358 = tpu.memref_squeeze %dma_start3A_357 : memref<1x8x1x8x128xf32, #tpu.memory_space<hbm>> -> memref<8x8x128xf32, #tpu.memory_space<hbm>>
      %dma_start3A_359 = arith.constant 0 : i32
      %dma_start3A_360 = arith.constant 0 : i32
      %dma_start3A_361 = arith.constant 0 : i32
      %dma_start3A_362 = tpu.memref_slice %arg9[%dma_start3A_359, %dma_start3A_360, %dma_start3A_361] : memref<8x8x129xf32, #tpu.memory_space<vmem>> -> memref<8x8x128xf32, #tpu.memory_space<vmem>>
      tpu.enqueue_dma source(%dma_start3A_362 : memref<8x8x128xf32, #tpu.memory_space<vmem>>) target(%dma_start3A_358 : memref<8x8x128xf32, #tpu.memory_space<hbm>>) target_semaphore(%arg13 : memref<!tpu.dma_semaphore, #tpu.memory_space<semaphore_mem>>)
    }
    %scan3A_238 = arith.constant 25 : i32
    %dma_wait3A = arith.constant 0 : i32
    %dma_wait3A_239 = arith.constant 0 : i32
    %dma_wait3A_240 = arith.constant 0 : i32
    %dma_wait3A_241 = arith.constant 0 : i32
    %dma_wait3A_242 = tpu.memref_slice %arg8[%dma_wait3A_239, %dma_wait3A_240, %dma_wait3A_241] : memref<8x8x129xf32, #tpu.memory_space<vmem>> -> memref<8x8x128xf32, #tpu.memory_space<vmem>>
    %dma_wait3A_243 = arith.constant 0 : i32
    %dma_wait3A_244 = arith.constant 0 : i32
    %dma_wait3A_245 = arith.constant 0 : i32
    %dma_wait3A_246 = tpu.memref_slice %arg4[%dma_wait3A, %dma_wait3A_243, %add3A, %dma_wait3A_244, %dma_wait3A_245] : memref<50x8x32x8x128xf32, #tpu.memory_space<hbm>> -> memref<1x8x1x8x128xf32, #tpu.memory_space<hbm>>
    %dma_wait3A_247 = tpu.memref_squeeze %dma_wait3A_246 : memref<1x8x1x8x128xf32, #tpu.memory_space<hbm>> -> memref<8x8x128xf32, #tpu.memory_space<hbm>>
    %dma_wait3A_248 = arith.constant 0 : i32
    %dma_wait3A_249 = arith.constant 0 : i32
    %dma_wait3A_250 = arith.constant 0 : i32
    %dma_wait3A_251 = tpu.memref_slice %arg4[%dma_wait3A, %dma_wait3A_248, %add3A, %dma_wait3A_249, %dma_wait3A_250] : memref<50x8x32x8x128xf32, #tpu.memory_space<hbm>> -> memref<1x8x1x8x128xf32, #tpu.memory_space<hbm>>
    %dma_wait3A_252 = tpu.memref_squeeze %dma_wait3A_251 : memref<1x8x1x8x128xf32, #tpu.memory_space<hbm>> -> memref<8x8x128xf32, #tpu.memory_space<hbm>>
    %dma_wait3A_253 = arith.constant 0 : i32
    %dma_wait3A_254 = arith.constant 0 : i32
    %dma_wait3A_255 = arith.constant 0 : i32
    %dma_wait3A_256 = tpu.memref_slice %arg8[%dma_wait3A_253, %dma_wait3A_254, %dma_wait3A_255] : memref<8x8x129xf32, #tpu.memory_space<vmem>> -> memref<8x8x128xf32, #tpu.memory_space<vmem>>
    tpu.wait_dma2 semaphore(%arg12 : memref<!tpu.dma_semaphore, #tpu.memory_space<semaphore_mem>>) src(%dma_wait3A_256 : memref<8x8x128xf32, #tpu.memory_space<vmem>>) dst(%dma_wait3A_252 : memref<8x8x128xf32, #tpu.memory_space<hbm>>)
    %dma_wait3A_257 = arith.constant 0 : i32
    %dma_wait3A_258 = arith.constant 0 : i32
    %dma_wait3A_259 = arith.constant 0 : i32
    %dma_wait3A_260 = arith.constant 0 : i32
    %dma_wait3A_261 = tpu.memref_slice %arg9[%dma_wait3A_258, %dma_wait3A_259, %dma_wait3A_260] : memref<8x8x129xf32, #tpu.memory_space<vmem>> -> memref<8x8x128xf32, #tpu.memory_space<vmem>>
    %dma_wait3A_262 = arith.constant 0 : i32
    %dma_wait3A_263 = arith.constant 0 : i32
    %dma_wait3A_264 = arith.constant 0 : i32
    %dma_wait3A_265 = tpu.memref_slice %arg4[%dma_wait3A_257, %dma_wait3A_262, %add3A, %dma_wait3A_263, %dma_wait3A_264] : memref<50x8x32x8x128xf32, #tpu.memory_space<hbm>> -> memref<1x8x1x8x128xf32, #tpu.memory_space<hbm>>
    %dma_wait3A_266 = tpu.memref_squeeze %dma_wait3A_265 : memref<1x8x1x8x128xf32, #tpu.memory_space<hbm>> -> memref<8x8x128xf32, #tpu.memory_space<hbm>>
    %dma_wait3A_267 = arith.constant 0 : i32
    %dma_wait3A_268 = arith.constant 0 : i32
    %dma_wait3A_269 = arith.constant 0 : i32
    %dma_wait3A_270 = tpu.memref_slice %arg4[%dma_wait3A_257, %dma_wait3A_267, %add3A, %dma_wait3A_268, %dma_wait3A_269] : memref<50x8x32x8x128xf32, #tpu.memory_space<hbm>> -> memref<1x8x1x8x128xf32, #tpu.memory_space<hbm>>
    %dma_wait3A_271 = tpu.memref_squeeze %dma_wait3A_270 : memref<1x8x1x8x128xf32, #tpu.memory_space<hbm>> -> memref<8x8x128xf32, #tpu.memory_space<hbm>>
    %dma_wait3A_272 = arith.constant 0 : i32
    %dma_wait3A_273 = arith.constant 0 : i32
    %dma_wait3A_274 = arith.constant 0 : i32
    %dma_wait3A_275 = tpu.memref_slice %arg9[%dma_wait3A_272, %dma_wait3A_273, %dma_wait3A_274] : memref<8x8x129xf32, #tpu.memory_space<vmem>> -> memref<8x8x128xf32, #tpu.memory_space<vmem>>
    tpu.wait_dma2 semaphore(%arg13 : memref<!tpu.dma_semaphore, #tpu.memory_space<semaphore_mem>>) src(%dma_wait3A_275 : memref<8x8x128xf32, #tpu.memory_space<vmem>>) dst(%dma_wait3A_271 : memref<8x8x128xf32, #tpu.memory_space<hbm>>)
    return
  }
}

</mosaic_0001>

<sc_bundles>
// kernel: kernel.3.cloned.1.call-start
scs
__scs_entry_jumppad:
0x0: {  	(pc) =	sbr.rel $0x88, $3  }
0x1: {  	(tag) =	ssettag $0x0;
	lr =	simm.s32 $0x1  }
0x2: {  	[smem:$0x3F9F] =	sst lr;
	_ =	strace $0xD0000000  }
0x3: {  	_ = 	snop  }
0x4: {  	_ = 	snop  }
0x5: {  	_ = 	snop  }
0x6: {  	_ = 	snop  }
0x7: {  	_ = 	snop  }
__scs_overlays_trampoline_lowered:
0x8: {  	[smem:$0x3FAE] =	sst s0  }
0x9: {  	[smem:$0x3FAF] =	sst s1  }
0xa: {  	[smem:$0x3FB0] =	sst s2  }
0xb: {  	[smem:$0x3FB1] =	sst s3  }
0xc: {  	[smem:$0x3FB2] =	sst s4  }
0xd: {  	[smem:$0x3FB3] =	sst s5  }
0xe: {  	[smem:$0x3FB4] =	sst s6  }
0xf: {  	[smem:$0x3FB5] =	sst s7  }
0x10: {  	[smem:$0x3FB6] =	sst s8  }
0x11: {  	[smem:$0x3FB7] =	sst s9;
	s0 =	simm.s32 @!p0 $0x0  }
0x12: {  	s1 =	sld [smem:$0x3F9D];
	s0 =	simm.s32 @p0 $0x1  }
0x13: {  	[smem:$0x3FB8] =	sst s0;
	s0 =	simm.s32 @!p1 $0x0  }
0x14: {  	s2 =	sld [smem:$0x3F9C];
	s0 =	simm.s32 @p1 $0x1  }
0x15: {  	[smem:$0x3FB9] =	sst s0;
	s0 =	simm.s32 @!p2 $0x0  }
0x16: {  	s3 =	sld [smem:$0x3FDB];
	s0 =	simm.s32 @p2 $0x1  }
0x17: {  	s4 =	simm.s32 $0x1BF5;
	[smem:$0x3FBB] =	sst s0  }
0x18: {  	s0 =	sld [smem:$0x3F9E];
	_ =	swait.ge [sflag:s4], $0x0  }
0x19: {  	s7 =	sld [smem:$0x3F9F]  }
0x1a: {  	s8 =	sadd.s32 $0xFFFFE003, lr  }
0x1b: {  	s9 =	sadd.s32 $0xFFFFFEF7, lr;
	s5 =	simm.s32 $0xFFFFFFFF;
	p2 =	slt.u32 s8, $0xFFFFF086  }
0x1c: {  	p1 =	slt.u32 s9, $0xF7A;
	s5 =	simm.s32 @!p2 $0x0  }
0x1d: {  	s5 =	simm.s32 @p1 $0x1;
	p0 =	seq.s32 s7, s2  }
0x1e: {  	s7 =	smul.u32 @!p0 $0xF7A, s2;
	p2 =	seq.s32 @!p0 s5, $0x0  }
0x1f: {  	s9 =	smul.u32 $0xF7A, s1;
	s8 =	simm.s32 @!p0 $0x1BF5;
	p2 =	por !p2, p0  }
0x20: {  	[sflag:s8] =	ssyncset.s32 @!p0 $0xFFFFF086;
	s6 =	sadd.s32 @!p0 s3, s7;
	s7 =	simm.s32 @!p0 $0x108  }
0x21: {  	s3 =	sadd.s32 s3, s9;
	s6 =	sadd.s32 @!p0 $0x88, s6;
	s7 =	simm.s32 @p2 $0x1082  }
0x22: {  	[simem:s7], [sflag:s8] =	dma.local @!p0 [hbm:s6], $0xF7A  }
0x23: {  	s9 =	sor.u32 $0xD0000000, s2;
	s6 =	simm.s32 $0x108;
	_ =	swait.ge @!p0 [sflag:s8], $0x0  }
0x24: {  	s3 =	sadd.s32 $0x88, s3;
	s6 =	simm.s32 @!p1 $0x1082;
	[sflag:s4] =	ssyncset.s32 $0xFFFFF086  }
0x25: {  	[simem:s6], [sflag:s4] =	dma.local [hbm:s3], $0xF7A  }
0x26: {  	[smem:$0x3F9F] =	sst s1;
	(tag) =	ssettag s2;
	_ =	strace s9  }
0x27: {  	s1 =	sld [smem:$0x3FAF]  }
0x28: {  	s2 =	sld [smem:$0x3FB0]  }
0x29: {  	s4 =	sld [smem:$0x3FB2]  }
0x2a: {  	p0 =	seq.s32 s5, $0x0;
	s5 =	sld [smem:$0x3FB3]  }
0x2b: {  	s6 =	sld [smem:$0x3FB4]  }
0x2c: {  	s7 =	sld [smem:$0x3FB5]  }
0x2d: {  	s3 =	simm.s32 $0x108;
	s8 =	sld [smem:$0x3FB6]  }
0x2e: {  	s3 =	simm.s32 @!p0 $0x1082;
	s9 =	sld [smem:$0x3FB7]  }
0x2f: {  	lr =	sadd.s32 s0, s3;
	s0 =	sld [smem:$0x3FAE]  }
0x30: {  	s3 =	sld [smem:$0x3FB1]  }
0x31: {  	[smem:$0x3FBA] =	sst s10  }
0x32: {  	s10 =	sld [smem:$0x3FB8];
	_ =	sdelay $0x3  }
0x33: {  	p0 =	seq.s32 s10, $0x1;
	s10 =	sld [smem:$0x3FBA];
	_ =	sdelay $0x3  }
0x34: {  	[smem:$0x3FBA] =	sst s10  }
0x35: {  	s10 =	sld [smem:$0x3FB9];
	_ =	sdelay $0x3  }
0x36: {  	p1 =	seq.s32 s10, $0x1;
	s10 =	sld [smem:$0x3FBA];
	_ =	sdelay $0x3  }
0x37: {  	[smem:$0x3FBA] =	sst s10  }
0x38: {  	s10 =	sld [smem:$0x3FBB]  }
0x39: {  	_ = 	snop;
	(pc) =	sbr.ind lr, $3  }
0x3a: {  	_ = 	snop  }
0x3b: {  	_ = 	snop  }
0x3c: {  	p2 =	seq.s32 s10, $0x1;
	s10 =	sld [smem:$0x3FBA]  }
0x3d: {  	_ =	shalt  }
0x3e: {  	_ =	shalt  }
0x3f: {  	_ =	shalt  }
0x40: {  	_ =	shalt  }
0x41: {  	_ =	shalt  }
0x42: {  	_ =	shalt  }
0x43: {  	_ =	shalt  }
0x44: {  	_ =	shalt  }
0x45: {  	_ =	shalt  }
0x46: {  	_ =	shalt  }
0x47: {  	_ =	shalt  }
0x48: {  	_ =	shalt  }
0x49: {  	_ =	shalt  }
0x4a: {  	_ =	shalt  }
0x4b: {  	_ =	shalt  }
0x4c: {  	_ =	shalt  }
0x4d: {  	_ =	shalt  }
0x4e: {  	_ =	shalt  }
0x4f: {  	_ =	shalt  }
0x50: {  	_ =	shalt  }
0x51: {  	_ =	shalt  }
0x52: {  	_ =	shalt  }
0x53: {  	_ =	shalt  }
0x54: {  	_ =	shalt  }
0x55: {  	_ =	shalt  }
0x56: {  	_ =	shalt  }
0x57: {  	_ =	shalt  }
0x58: {  	_ =	shalt  }
0x59: {  	_ =	shalt  }
0x5a: {  	_ =	shalt  }
0x5b: {  	_ =	shalt  }
0x5c: {  	_ =	shalt  }
0x5d: {  	_ =	shalt  }
0x5e: {  	_ =	shalt  }
0x5f: {  	_ =	shalt  }
0x60: {  	_ =	shalt  }
0x61: {  	_ =	shalt  }
0x62: {  	_ =	shalt  }
0x63: {  	_ =	shalt  }
0x64: {  	_ =	shalt  }
0x65: {  	_ =	shalt  }
0x66: {  	_ =	shalt  }
0x67: {  	_ =	shalt  }
0x68: {  	_ =	shalt  }
0x69: {  	_ =	shalt  }
0x6a: {  	_ =	shalt  }
0x6b: {  	_ =	shalt  }
0x6c: {  	_ =	shalt  }
0x6d: {  	_ =	shalt  }
0x6e: {  	_ =	shalt  }
0x6f: {  	_ =	shalt  }
0x70: {  	_ =	shalt  }
0x71: {  	_ =	shalt  }
0x72: {  	_ =	shalt  }
0x73: {  	_ =	shalt  }
0x74: {  	_ =	shalt  }
0x75: {  	_ =	shalt  }
0x76: {  	_ =	shalt  }
0x77: {  	_ =	shalt  }
0x78: {  	_ =	shalt  }
0x79: {  	_ =	shalt  }
0x7a: {  	_ =	shalt  }
0x7b: {  	_ =	shalt  }
0x7c: {  	_ =	shalt  }
0x7d: {  	_ =	shalt  }
0x7e: {  	_ =	shalt  }
0x7f: {  	_ =	shalt  }
0x80: {  	_ =	shalt  }
0x81: {  	_ =	shalt  }
0x82: {  	_ =	shalt  }
0x83: {  	_ =	shalt  }
0x84: {  	_ =	shalt  }
0x85: {  	_ =	shalt  }
0x86: {  	_ =	shalt  }
0x87: {  	_ =	shalt  }
.Lfunc_end0:
.L_simem_size_0:
called_computation_lowered:
.L_overlay_start_0:
0x88: {  	s2 =	sld [smem:$0x3FD9]  }
0x89: {  	s3 =	sld [smem:$0x3FFE];
	_ =	sdelay $0x1  }
0x8a: {  	s1 =	srdreg.scid  }
0x8b: {  	s0 =	sand.u32 $0x1, s1  }
0x8c: {  	s17 =	sshll.u32 s0, $0xA;
	s2 =	sadd.s32 s3, s2  }
0x8d: {  	s2 =	sadd.s32 s2, s17  }
0x8e: {  	[smem:$0x3FC6] =	sst s2  }
0x8f: {  	_ = 	snop  }
0x90: {  	s2 =	sld [smem:$0x3FD0];
	(tm) =	ssettm $0x1  }
0x91: {  	s18 =	sld [smem:$0x3FFB];
	_ =	sdelay $0x3  }
0x92: {  	_ =	strace s18  }
0x93: {  	s3 =	sld [smem:$0x3FFC];
	_ =	sdelay $0x3  }
0x94: {  	_ =	strace s3  }
0x95: {  	s3 =	sld [smem:$0x3FFD];
	_ =	sdelay $0x3  }
0x96: {  	_ =	strace s3  }
0x97: {  	_ =	strace $0x8FFFFFFF  }
0x98: {  	s19 =	sld [smem:$0x3FDB];
	_ =	sdelay $0x1  }
0x99: {  	s4 =	simm.s32 $_scs_section_size  }
0x9a: {  	s5 =	simm.s32 $_size__tile_overlayer_lowered;
	s6 =	simm.s32 $_tile_overlayer_lowered  }
0x9b: {  	s22 =	simm.s32 $0x1BFF;
	s21 =	sshll.u32 s6, $0x1;
	s3 =	sadd.s32 s4, s19  }
0x9c: {  	s7 =	simm.s32 $0x0;
	s20 =	sshll.u32 s5, $0x1;
	s5 =	sadd.s32 s21, s3  }
0x9d: {  	[timem:s7], [sflag:s22] =	dma.local [hbm:s5], s20  }
0x9e: {  	_ =	swait.ge [sflag:s22], s20  }
0x9f: {  	s4 =	ssub.s32 $0x0, s20;
	[sflag:s22] =	ssyncset.done $0x0  }
0xa0: {  	[sflag:s22] =	ssyncadd.s32 s4;
	_ =	sdelay $0x1  }
0xa1: {  	s23 =	simm.s32 $0x1B8B  }
0xa2: {  	_ =	swait.ge [sflag:s23], $0x1  }
0xa3: {  	[sflag:s23] =	ssyncset.done $0x0  }
0xa4: {  	s25 =	simm.s32 $0x1B8E;
	s24 =	sld [smem:$0x3FFE];
	[sflag:s23] =	ssyncadd.s32 $0xFFFFFFFF  }
0xa5: {  	s26 =	simm.s32 $execute0_lowered;
	[smem:$0x3FD2] =	sst s25  }
0xa6: {  	s5 =	sshll.u32 s26, $0x1;
	_ =	strace $0x80000046;
	[dreg:$0x1] =	wrdreg $0xFFFFFFFF  }
0xa7: {  	s28 =	simm.s32 $_size_execute0_lowered;
	s3 =	sadd.s32 s3, s5;
	[dreg:$0x0] =	wrdreg $0x0  }
0xa8: {  	s5 =	sshll.u32 s28, $0x1;
	[dreg:$0x2] =	wrdreg s3  }
0xa9: {  	[dreg:$0x3] =	wrdreg s5  }
0xaa: {  	[dreg:$0x4] =	wrdreg $0xC0  }
0xab: {  	_ =	task [dreg:s7], $0x5FFFF  }
0xac: {  	[dreg:$0x1] =	wrdreg $0xFFFFFFFF  }
0xad: {  	[dreg:$0x0] =	wrdreg $0x60  }
0xae: {  	[dreg:$0x2] =	wrdreg s24  }
0xaf: {  	[dreg:$0x3] =	wrdreg s2  }
0xb0: {  	[dreg:$0x4] =	wrdreg $0x9  }
0xb1: {  	_ =	task.clear_ibuf [dreg:s7], $0x5FFFF;
	_ =	strace $0x90000046  }
0xb2: {  	s29 =	simm.s32 $0x9;
	_ =	strace $0x80000048  }
0xb3: {  	_ =	swait.ge [sflag:s29], $0x1  }
0xb4: {  	[sflag:s29] =	ssyncadd.s32 $0xFFFFFFFF  }
0xb5: {  	_ =	strace $0x90000048  }
0xb6: {  	_ =	sfence  }
0xb7: {  	s30 =	sld [smem:$0x0];
	_ =	sdelay $0x2  }
0xb8: {  	s31 =	sshll.u32 s1, $0xD;
	s1 =	sshrl.u32 s1, $0x2  }
0xb9: {  	s3 =	sand.u32 $0x4000, s31;
	s1 =	sadd.s32 s1, s30  }
0xba: {  	s0 =	sor.u32 s3, s0;
	s1 =	sshll.u32 s1, $0x11  }
0xbb: {  	s0 =	sor.u32 s1, s0  }
0xbc: {  	s0 =	sadd.s32 $0x8F2B, s0  }
0xbd: {  	[sflag:s0] =	ssyncadd.remote.s32 $0x1  }
0xbe: {  	_ =	sfence.sel $0xFFFF  }
0xbf: {  	[dreg:$0x0] =	wrdreg $0xFFFFFFFF;
	(pc) =	sbr.abs _section_cstart, $3  }
0xc0: {  	[dreg:$0x1] =	wrdreg $0xFFFFFFFF  }
0xc1: {  	_ =	task.clear_ibuf [dreg:s7], $0x2FFFF;
	_ =	strace $0x9FFFFFFF  }
0xc2: {  	(tm) =	ssettm $0x7FFFFFFF  }
0xc3: {  	_ =	shalt  }
tec
execute0_lowered:
.L_overlay_start_1:
0x0: {  	(tag) =	ssettag $0x1  }
0x1: {  	s5 =	rddreg [dreg:$0x0]  }
0x2: {  	s2 =	rddreg [dreg:$0x1]  }
0x3: {  	s0 =	rddreg [dreg:$0x2]  }
0x4: {  	s4 =	srdreg.scid;
	s1 =	stileid.u32  }
0x5: {  	s3 =	simm.s32 $0x0;
	s10 =	simm.s32 $0x5;
	s11 =	simm.s32 $0x1900  }
0x6: {  	s12 =	simm.s32 $0x3900;
	s13 =	simm.s32 $0x1;
	s14 =	simm.s32 $0x5900  }
0x7: {  	s15 =	simm.s32 $0x2;
	s16 =	simm.s32 $0x4;
	s17 =	simm.s32 $0x7B00  }
0x8: {  	s18 =	simm.s32 $0x3;
	s4 =	sand.u32 $0x1, s4;
	s6 =	sshll.u32 s1, $0x1  }
0x9: {  	s19 =	simm.s32 $0x0;
	[smem:$0x7FF] =	sst s3;
	s6 =	sor.u32 s4, s6  }
0xa: {  	v0 =	vlaneseq.u32;
	s7 =	ssub.s32 $0x2, s4;
	_ =	strace $0x80000047;
	s4 =	sadd.s32 $0x6800, s5  }
0xb: {  	v0 =	vmul.u32 $0x88, v0;
	s8 =	sshll.u32 s6, $0x4;
	s9 =	sshrl.u32 s7, $0x1;
	s6 =	sshll.u32 s6, $0xA  }
0xc: {  	s5 =	sadd.s32 s8, s5;
	s7 =	ssub.s32 s7, s9;
	s8 =	simm.s32 $0x80  }
0xd: {  	v1 =	vadd.s32 $0x880, v0;
	v2 =	vadd.s32 $0x1100, v0;
	v3 =	vadd.s32 $0x1980, v0;
	s9 =	simm.s32 $0x1000;
	s5 =	sadd.s32 $0x400, s5;
	s7 =	smax.u32 s7, $0x1  }
.LBB2_1:
0xe: {  	[tilespmem:s3], [sflag:$0x5] =	stream.strided.gather [hbm4b:s5+s8], $0x1900, s9, s8, $0x38;
	[tilespmem:$0x9D00] =	vst v63  }
0xf: {  	_ =	swait.ge [sflag:s10], $0x1900  }
0x10: {  	[sflag:s10] =	ssyncset.done $0x0  }
0x11: {  	s20 =	simm.s32 $0x0;
	[sflag:s10] =	ssyncadd.s32 $0xFFFFE700  }
0x12: {  	[tilespmem:s11], [sflag:$0x1] =	stream.indirect.gather [hbm4b:s4+s8], $0x40, s3, s8, $0xb8;
	[tilespmem:$0x9D00] =	vst v63  }
.LBB2_2:
0x13: {  	s21 =	sshllo.u32 s20, $0x1  }
0x14: {  	s22 =	sshll.u32 s21, $0x7  }
0x15: {  	s22 =	sand.u32 $0x3FFFFF80, s22  }
0x16: {  	[tilespmem:s12], [sflag:$0x2] =	stream.indirect.gather [hbm4b:s4+s8], $0x40, s22, s8, $0xb8;
	[tilespmem:$0x9D00] =	vst v63  }
0x17: {  	_ =	swait.ge [sflag:s13], $0x2000  }
0x18: {  	p0 =	seq.s32 s20, $0x0;
	[sflag:s13] =	ssyncset.done $0x0  }
0x19: {  	s22 =	simm.s32 @!p0 $0x3;
	[sflag:s13] =	ssyncadd.s32 $0xFFFFE000  }
0x1a: {  	s23 =	simm.s32 $0x0;
	_ =	swait.ge @!p0 [sflag:s22], $0x2000  }
0x1b: {  	v4 =	vmov s23;
	[sflag:s22] =	ssyncset.done @!p0 $0x0  }
0x1c: {  	v4 =	vand.u32 $0x7E, v4;
	[sflag:s22] =	ssyncadd.s32 @!p0 $0xFFFFE000;
	s22 =	simm.s32 $0x1940  }
0x1d: {  	v6 =	vadd.s32 v0, v4;
	v5 =	vld [tilespmem:s22+$0xFFFFFFC0];
	_ =	sdelay $0x4  }
0x1e: {  	[tilespmem:v6+s14+$0x0] =	vst.idx.msk $0xffff, v5  }
0x1f: {  	v6 =	vadd.s32 v1, v4;
	v5 =	vld [tilespmem:s22+$0xFFFFFFD0];
	_ =	sdelay $0x4  }
0x20: {  	[tilespmem:v6+s14+$0x0] =	vst.idx.msk $0xffff, v5  }
0x21: {  	v6 =	vadd.s32 v2, v4;
	v5 =	vld [tilespmem:s22+$0xFFFFFFE0];
	_ =	sdelay $0x4  }
0x22: {  	[tilespmem:v6+s14+$0x0] =	vst.idx.msk $0xffff, v5  }
0x23: {  	v4 =	vadd.s32 v3, v4;
	v5 =	vld [tilespmem:s22+$0xFFFFFFF0];
	_ =	sdelay $0x2  }
0x24: {  	s31 =	simm.s32 $0x1  }
0x25: {  	v6 =	vmov s31  }
0x26: {  	[tilespmem:v4+s14+$0x0] =	vst.idx.msk $0xffff, v5;
	v5 =	vand.u32 $0x7F, v6  }
0x27: {  	v4 =	vld [tilespmem:s22+$0x0];
	v6 =	vadd.s32 v0, v5;
	_ =	sdelay $0x4  }
0x28: {  	[tilespmem:v6+s14+$0x0] =	vst.idx.msk $0xffff, v4  }
0x29: {  	v6 =	vadd.s32 v1, v5;
	v4 =	vld [tilespmem:s22+$0x10];
	_ =	sdelay $0x4  }
0x2a: {  	[tilespmem:v6+s14+$0x0] =	vst.idx.msk $0xffff, v4  }
0x2b: {  	v6 =	vadd.s32 v2, v5;
	v4 =	vld [tilespmem:s22+$0x20];
	_ =	sdelay $0x4  }
0x2c: {  	[tilespmem:v6+s14+$0x0] =	vst.idx.msk $0xffff, v4  }
0x2d: {  	v5 =	vadd.s32 v3, v5;
	v4 =	vld [tilespmem:s22+$0x30];
	_ =	sdelay $0x2  }
0x2e: {  	s23 =	simm.s32 $0x2  }
0x2f: {  	s24 =	simm.s32 $0x4;
	v6 =	vmov s23  }
.LBB2_3:
0x30: {  	p1 =	sne.s32 s24, $0x7E;
	v6 =	vand.u32 $0x7E, v6;
	[tilespmem:v5+s14+$0x0] =	vst.idx.msk $0xffff, v4;
	s22 =	sadd.s32 $0x80, s22  }
0x31: {  	v4 =	vld [tilespmem:s22+$0xFFFFFFC0];
	v5 =	vadd.s32 v0, v6;
	_ =	sdelay $0x4  }
0x32: {  	[tilespmem:v5+s14+$0x0] =	vst.idx.msk $0xffff, v4  }
0x33: {  	v5 =	vadd.s32 v1, v6;
	v4 =	vld [tilespmem:s22+$0xFFFFFFD0];
	_ =	sdelay $0x4  }
0x34: {  	[tilespmem:v5+s14+$0x0] =	vst.idx.msk $0xffff, v4  }
0x35: {  	v5 =	vadd.s32 v2, v6;
	v4 =	vld [tilespmem:s22+$0xFFFFFFE0];
	_ =	sdelay $0x4  }
0x36: {  	[tilespmem:v5+s14+$0x0] =	vst.idx.msk $0xffff, v4  }
0x37: {  	v5 =	vadd.s32 v3, v6;
	v4 =	vld [tilespmem:s22+$0xFFFFFFF0];
	_ =	sdelay $0x2  }
0x38: {  	s25 =	sadd.s32 $0x1, s23;
	s23 =	smov.u32 s24  }
0x39: {  	v6 =	vmov s25  }
0x3a: {  	[tilespmem:v5+s14+$0x0] =	vst.idx.msk $0xffff, v4;
	v5 =	vand.u32 $0x7F, v6  }
0x3b: {  	v4 =	vld [tilespmem:s22+$0x0];
	v6 =	vadd.s32 v0, v5;
	_ =	sdelay $0x4  }
0x3c: {  	[tilespmem:v6+s14+$0x0] =	vst.idx.msk $0xffff, v4  }
0x3d: {  	v6 =	vadd.s32 v1, v5;
	v4 =	vld [tilespmem:s22+$0x10];
	_ =	sdelay $0x4  }
0x3e: {  	[tilespmem:v6+s14+$0x0] =	vst.idx.msk $0xffff, v4  }
0x3f: {  	v6 =	vadd.s32 v2, v5;
	v4 =	vld [tilespmem:s22+$0x20];
	_ =	sdelay $0x4  }
0x40: {  	[tilespmem:v6+s14+$0x0] =	vst.idx.msk $0xffff, v4  }
.Ltmp0:
0x41: {  	v5 =	vadd.s32 v3, v5;
	v4 =	vld [tilespmem:s22+$0x30];
	(pc) =	sbr.rel @p1 .LBB2_3-.Ltmp0, $2  }
0x42: {  	_ =	sdelay $0x2  }
0x43: {  	s24 =	sadd.s32 $0x2, s24;
	v6 =	vmov s23  }
0x44: {  	_ =	sdelay $0x3  }
0x45: {  	v6 =	vand.u32 $0x7E, v6;
	[tilespmem:v5+s14+$0x0] =	vst.idx.msk $0xffff, v4;
	s22 =	sadd.s32 $0x80, s22  }
0x46: {  	v4 =	vld [tilespmem:s22+$0xFFFFFFC0];
	v5 =	vadd.s32 v0, v6;
	_ =	sdelay $0x4  }
0x47: {  	[tilespmem:v5+s14+$0x0] =	vst.idx.msk $0xffff, v4  }
0x48: {  	v5 =	vadd.s32 v1, v6;
	v4 =	vld [tilespmem:s22+$0xFFFFFFD0];
	_ =	sdelay $0x4  }
0x49: {  	[tilespmem:v5+s14+$0x0] =	vst.idx.msk $0xffff, v4  }
0x4a: {  	v5 =	vadd.s32 v2, v6;
	v4 =	vld [tilespmem:s22+$0xFFFFFFE0];
	_ =	sdelay $0x4  }
0x4b: {  	[tilespmem:v5+s14+$0x0] =	vst.idx.msk $0xffff, v4  }
0x4c: {  	v5 =	vadd.s32 v3, v6;
	v4 =	vld [tilespmem:s22+$0xFFFFFFF0];
	_ =	sdelay $0x2  }
0x4d: {  	s23 =	sadd.s32 $0x1, s23  }
0x4e: {  	v61 =	vmov s23  }
0x4f: {  	[tilespmem:v5+s14+$0x0] =	vst.idx.msk $0xffff, v4;
	v4 =	vand.u32 $0x7F, v61  }
0x50: {  	v5 =	vld [tilespmem:s22+$0x0];
	v6 =	vadd.s32 v0, v4;
	_ =	sdelay $0x4  }
0x51: {  	[tilespmem:v6+s14+$0x0] =	vst.idx.msk $0xffff, v5  }
0x52: {  	v62 =	vadd.s32 v1, v4;
	v5 =	vld [tilespmem:s22+$0x10];
	_ =	sdelay $0x4  }
0x53: {  	[tilespmem:v62+s14+$0x0] =	vst.idx.msk $0xffff, v5  }
0x54: {  	v63 =	vadd.s32 v2, v4;
	v5 =	vld [tilespmem:s22+$0x20];
	_ =	sdelay $0x4  }
0x55: {  	[tilespmem:v63+s14+$0x0] =	vst.idx.msk $0xffff, v5  }
0x56: {  	v4 =	vadd.s32 v3, v4;
	v5 =	vld [tilespmem:s22+$0x30];
	_ =	sdelay $0x1  }
0x57: {  	s24 =	sshll.u32 s20, $0x13  }
0x58: {  	s22 =	sor.u32 s6, s24  }
0x59: {  	s22 =	sshrl.u32 s22, $0x3  }
0x5a: {  	s25 =	simm.s32 $0x5900;
	s23 =	sadd.s32 s2, s22;
	[tilespmem:v4+s14+$0x0] =	vst.idx.msk $0xffff, v5  }
0x5b: {  	[hbm4b:s23+s3] =	stream.linear.scatter [tilespmem:s25], [sflag:$0x3], $0x80, $0x38;
	[tilespmem:$0x9D00] =	vst v63  }
0x5c: {  	s26 =	simm.s32 $0x5988;
	s24 =	sadd.s32 $0x10, s23  }
0x5d: {  	[hbm4b:s24+s3] =	stream.linear.scatter [tilespmem:s26], [sflag:$0x3], $0x80, $0x38;
	[tilespmem:$0x9D00] =	vst v63  }
0x5e: {  	s28 =	simm.s32 $0x5A10;
	s30 =	simm.s32 $0x5A98;
	s29 =	sadd.s32 $0x20, s23  }
0x5f: {  	[hbm4b:s29+s3] =	stream.linear.scatter [tilespmem:s28], [sflag:$0x3], $0x80, $0x38;
	[tilespmem:$0x9D00] =	vst v63  }
0x60: {  	s22 =	simm.s32 $0x440;
	s31 =	sadd.s32 $0x30, s23;
	s25 =	simm.s32 $0x5B20  }
0x61: {  	[hbm4b:s31+s3] =	stream.linear.scatter [tilespmem:s30], [sflag:$0x3], $0x80, $0x38;
	[tilespmem:$0x9D00] =	vst v63  }
0x62: {  	s26 =	sadd.s32 $0x40, s23;
	s24 =	simm.s32 $0x2200;
	s28 =	simm.s32 $0x5BA8  }
0x63: {  	[hbm4b:s26+s3] =	stream.linear.scatter [tilespmem:s25], [sflag:$0x3], $0x80, $0x38;
	[tilespmem:$0x9D00] =	vst v63  }
0x64: {  	s29 =	sadd.s32 $0x50, s23;
	s30 =	simm.s32 $0x5C30;
	s31 =	sadd.s32 $0x60, s23  }
0x65: {  	[hbm4b:s29+s3] =	stream.linear.scatter [tilespmem:s28], [sflag:$0x3], $0x80, $0x38;
	[tilespmem:$0x9D00] =	vst v63  }
0x66: {  	s25 =	simm.s32 $0x5CB8;
	s26 =	sadd.s32 $0x70, s23;
	s23 =	sadd.s32 $0x1000, s23  }
0x67: {  	[hbm4b:s31+s3] =	stream.linear.scatter [tilespmem:s30], [sflag:$0x3], $0x80, $0x38;
	[tilespmem:$0x9D00] =	vst v63  }
.LBB2_5:
0x68: {  	[hbm4b:s26+s3] =	stream.linear.scatter [tilespmem:s25], [sflag:$0x3], $0x80, $0x38;
	[tilespmem:$0x9D00] =	vst v63  }
0x69: {  	s25 =	smov.u32 s22;
	s22 =	smov.u32 s24  }
0x6a: {  	s28 =	sadd.s32 $0x1100, s24;
	s22 =	sshra.s32 s22, $0x2;
	s26 =	sadd.s32 $0x5900, s25  }
0x6b: {  	[hbm4b:s23+s3] =	stream.linear.scatter [tilespmem:s26], [sflag:$0x3], $0x80, $0x38;
	[tilespmem:$0x9D00] =	vst v63  }
0x6c: {  	p1 =	sne.s32 s24, $0x7700;
	s24 =	sadd.s32 $0x5988, s25;
	s26 =	sadd.s32 $0x10, s23  }
0x6d: {  	[hbm4b:s26+s3] =	stream.linear.scatter [tilespmem:s24], [sflag:$0x3], $0x80, $0x38;
	[tilespmem:$0x9D00] =	vst v63  }
0x6e: {  	s24 =	sadd.s32 $0x5A10, s25;
	s26 =	sadd.s32 $0x20, s23  }
0x6f: {  	[hbm4b:s26+s3] =	stream.linear.scatter [tilespmem:s24], [sflag:$0x3], $0x80, $0x38;
	[tilespmem:$0x9D00] =	vst v63  }
0x70: {  	s24 =	sadd.s32 $0x5A98, s25;
	s26 =	sadd.s32 $0x30, s23  }
0x71: {  	[hbm4b:s26+s3] =	stream.linear.scatter [tilespmem:s24], [sflag:$0x3], $0x80, $0x38;
	[tilespmem:$0x9D00] =	vst v63  }
0x72: {  	s24 =	sadd.s32 $0x5B20, s25;
	s26 =	sadd.s32 $0x40, s23  }
0x73: {  	[hbm4b:s26+s3] =	stream.linear.scatter [tilespmem:s24], [sflag:$0x3], $0x80, $0x38;
	[tilespmem:$0x9D00] =	vst v63  }
.Ltmp1:
0x74: {  	s24 =	sadd.s32 $0x5BA8, s25;
	s26 =	sadd.s32 $0x50, s23;
	(pc) =	sbr.rel @p1 .LBB2_5-.Ltmp1, $4  }
0x75: {  	[hbm4b:s26+s3] =	stream.linear.scatter [tilespmem:s24], [sflag:$0x3], $0x80, $0x38;
	[tilespmem:$0x9D00] =	vst v63  }
0x76: {  	s24 =	sadd.s32 $0x5C30, s25;
	s26 =	sadd.s32 $0x60, s23;
	s25 =	sadd.s32 $0x5CB8, s25  }
0x77: {  	[hbm4b:s26+s3] =	stream.linear.scatter [tilespmem:s24], [sflag:$0x3], $0x80, $0x38;
	[tilespmem:$0x9D00] =	vst v63  }
0x78: {  	s26 =	sadd.s32 $0x70, s23;
	s23 =	sadd.s32 $0x1000, s23;
	s24 =	smov.u32 s28  }
0x79: {  	[hbm4b:s26+s3] =	stream.linear.scatter [tilespmem:s25], [sflag:$0x3], $0x80, $0x38;
	[tilespmem:$0x9D00] =	vst v63  }
0x7a: {  	s24 =	sadd.s32 $0x5900, s22  }
0x7b: {  	[hbm4b:s23+s3] =	stream.linear.scatter [tilespmem:s24], [sflag:$0x3], $0x80, $0x38;
	[tilespmem:$0x9D00] =	vst v63  }
0x7c: {  	s30 =	sadd.s32 $0x5988, s22;
	s31 =	sadd.s32 $0x10, s23  }
0x7d: {  	[hbm4b:s31+s3] =	stream.linear.scatter [tilespmem:s30], [sflag:$0x3], $0x80, $0x38;
	[tilespmem:$0x9D00] =	vst v63  }
0x7e: {  	s25 =	sadd.s32 $0x5A10, s22;
	s26 =	sadd.s32 $0x20, s23  }
0x7f: {  	[hbm4b:s26+s3] =	stream.linear.scatter [tilespmem:s25], [sflag:$0x3], $0x80, $0x38;
	[tilespmem:$0x9D00] =	vst v63  }
0x80: {  	s28 =	sadd.s32 $0x5A98, s22;
	s29 =	sadd.s32 $0x30, s23  }
0x81: {  	[hbm4b:s29+s3] =	stream.linear.scatter [tilespmem:s28], [sflag:$0x3], $0x80, $0x38;
	[tilespmem:$0x9D00] =	vst v63  }
0x82: {  	s30 =	sadd.s32 $0x5B20, s22;
	s31 =	sadd.s32 $0x40, s23  }
0x83: {  	[hbm4b:s31+s3] =	stream.linear.scatter [tilespmem:s30], [sflag:$0x3], $0x80, $0x38;
	[tilespmem:$0x9D00] =	vst v63  }
0x84: {  	p1 =	sne.s32 s20, $0x18;
	s25 =	sadd.s32 $0x5BA8, s22;
	s26 =	sadd.s32 $0x50, s23  }
0x85: {  	[hbm4b:s26+s3] =	stream.linear.scatter [tilespmem:s25], [sflag:$0x3], $0x80, $0x38;
	[tilespmem:$0x9D00] =	vst v63  }
.Ltmp2:
0x86: {  	_ = 	snop;
	(pc) =	sbr.rel @p1 .LBB2_8-.Ltmp2, $4  }
0x87: {  	s28 =	sadd.s32 $0x5C30, s22;
	s29 =	sadd.s32 $0x60, s23  }
0x88: {  	[hbm4b:s29+s3] =	stream.linear.scatter [tilespmem:s28], [sflag:$0x3], $0x80, $0x38;
	[tilespmem:$0x9D00] =	vst v63  }
0x89: {  	s30 =	sadd.s32 $0x5CB8, s22;
	s31 =	sadd.s32 $0x70, s23  }
0x8a: {  	[hbm4b:s31+s3] =	stream.linear.scatter [tilespmem:s30], [sflag:$0x3], $0x80, $0x38;
	[tilespmem:$0x9D00] =	vst v63  }
.Ltmp3:
0x8b: {  	(pc) =	sbr.rel .LBB2_9-.Ltmp3, $4  }
0x8c: {  	_ = 	snop  }
0x8d: {  	_ =	swait.ge [sflag:s15], $0x2000  }
0x8e: {  	[sflag:s15] =	ssyncset.done $0x0  }
0x8f: {  	[sflag:s15] =	ssyncadd.s32 $0xFFFFE000  }
.LBB2_8:
0x90: {  	s22 =	sshll.u32 s20, $0x8  }
0x91: {  	s22 =	sand.u32 $0x3FFFFF00, s22  }
.Ltmp4:
0x92: {  	s22 =	sadd.s32 $0x100, s22;
	(pc) =	sbr.rel @p0 .LBB2_10-.Ltmp4, $4  }
0x93: {  	[tilespmem:s11], [sflag:$0x1] =	stream.indirect.gather [hbm4b:s4+s8], $0x40, s22, s8, $0xb8;
	[tilespmem:$0x9D00] =	vst v63  }
0x94: {  	_ =	swait.ge [sflag:s15], $0x2000  }
0x95: {  	[sflag:s15] =	ssyncset.done $0x0  }
0x96: {  	[sflag:s15] =	ssyncadd.s32 $0xFFFFE000  }
.LBB2_9:
0x97: {  	_ =	swait.ge [sflag:s16], $0x2000  }
0x98: {  	[sflag:s16] =	ssyncset.done $0x0  }
0x99: {  	[sflag:s16] =	ssyncadd.s32 $0xFFFFE000  }
.LBB2_10:
0x9a: {  	s22 =	simm.s32 $0x0  }
0x9b: {  	v4 =	vmov s22  }
0x9c: {  	s22 =	simm.s32 $0x3940;
	v4 =	vand.u32 $0x7E, v4  }
0x9d: {  	v5 =	vld [tilespmem:s22+$0xFFFFFFC0];
	v6 =	vadd.s32 v0, v4;
	_ =	sdelay $0x4  }
0x9e: {  	[tilespmem:v6+s17+$0x0] =	vst.idx.msk $0xffff, v5  }
0x9f: {  	v6 =	vadd.s32 v1, v4;
	v5 =	vld [tilespmem:s22+$0xFFFFFFD0];
	_ =	sdelay $0x4  }
0xa0: {  	[tilespmem:v6+s17+$0x0] =	vst.idx.msk $0xffff, v5  }
0xa1: {  	v6 =	vadd.s32 v2, v4;
	v5 =	vld [tilespmem:s22+$0xFFFFFFE0];
	_ =	sdelay $0x4  }
0xa2: {  	[tilespmem:v6+s17+$0x0] =	vst.idx.msk $0xffff, v5  }
0xa3: {  	v4 =	vadd.s32 v3, v4;
	v5 =	vld [tilespmem:s22+$0xFFFFFFF0];
	_ =	sdelay $0x2  }
0xa4: {  	s23 =	simm.s32 $0x1  }
0xa5: {  	v6 =	vmov s23  }
0xa6: {  	[tilespmem:v4+s17+$0x0] =	vst.idx.msk $0xffff, v5;
	v5 =	vand.u32 $0x7F, v6  }
0xa7: {  	v4 =	vld [tilespmem:s22+$0x0];
	v6 =	vadd.s32 v0, v5;
	_ =	sdelay $0x4  }
0xa8: {  	[tilespmem:v6+s17+$0x0] =	vst.idx.msk $0xffff, v4  }
0xa9: {  	v6 =	vadd.s32 v1, v5;
	v4 =	vld [tilespmem:s22+$0x10];
	_ =	sdelay $0x4  }
0xaa: {  	[tilespmem:v6+s17+$0x0] =	vst.idx.msk $0xffff, v4  }
0xab: {  	v6 =	vadd.s32 v2, v5;
	v4 =	vld [tilespmem:s22+$0x20];
	_ =	sdelay $0x4  }
0xac: {  	[tilespmem:v6+s17+$0x0] =	vst.idx.msk $0xffff, v4  }
0xad: {  	v5 =	vadd.s32 v3, v5;
	v4 =	vld [tilespmem:s22+$0x30];
	_ =	sdelay $0x2  }
0xae: {  	s23 =	simm.s32 $0x2  }
0xaf: {  	s24 =	simm.s32 $0x4;
	v6 =	vmov s23  }
.LBB2_11:
0xb0: {  	p0 =	sne.s32 s24, $0x7E;
	v6 =	vand.u32 $0x7E, v6;
	[tilespmem:v5+s17+$0x0] =	vst.idx.msk $0xffff, v4;
	s22 =	sadd.s32 $0x80, s22  }
0xb1: {  	v4 =	vld [tilespmem:s22+$0xFFFFFFC0];
	v5 =	vadd.s32 v0, v6;
	_ =	sdelay $0x4  }
0xb2: {  	[tilespmem:v5+s17+$0x0] =	vst.idx.msk $0xffff, v4  }
0xb3: {  	v5 =	vadd.s32 v1, v6;
	v4 =	vld [tilespmem:s22+$0xFFFFFFD0];
	_ =	sdelay $0x4  }
0xb4: {  	[tilespmem:v5+s17+$0x0] =	vst.idx.msk $0xffff, v4  }
0xb5: {  	v5 =	vadd.s32 v2, v6;
	v4 =	vld [tilespmem:s22+$0xFFFFFFE0];
	_ =	sdelay $0x4  }
0xb6: {  	[tilespmem:v5+s17+$0x0] =	vst.idx.msk $0xffff, v4  }
0xb7: {  	v5 =	vadd.s32 v3, v6;
	v4 =	vld [tilespmem:s22+$0xFFFFFFF0];
	_ =	sdelay $0x2  }
0xb8: {  	s25 =	sadd.s32 $0x1, s23;
	s23 =	smov.u32 s24  }
0xb9: {  	v6 =	vmov s25  }
0xba: {  	[tilespmem:v5+s17+$0x0] =	vst.idx.msk $0xffff, v4;
	v5 =	vand.u32 $0x7F, v6  }
0xbb: {  	v4 =	vld [tilespmem:s22+$0x0];
	v6 =	vadd.s32 v0, v5;
	_ =	sdelay $0x4  }
0xbc: {  	[tilespmem:v6+s17+$0x0] =	vst.idx.msk $0xffff, v4  }
0xbd: {  	v6 =	vadd.s32 v1, v5;
	v4 =	vld [tilespmem:s22+$0x10];
	_ =	sdelay $0x4  }
0xbe: {  	[tilespmem:v6+s17+$0x0] =	vst.idx.msk $0xffff, v4  }
0xbf: {  	v6 =	vadd.s32 v2, v5;
	v4 =	vld [tilespmem:s22+$0x20];
	_ =	sdelay $0x4  }
0xc0: {  	[tilespmem:v6+s17+$0x0] =	vst.idx.msk $0xffff, v4  }
.Ltmp5:
0xc1: {  	v5 =	vadd.s32 v3, v5;
	v4 =	vld [tilespmem:s22+$0x30];
	(pc) =	sbr.rel @p0 .LBB2_11-.Ltmp5, $2  }
0xc2: {  	_ =	sdelay $0x2  }
0xc3: {  	s24 =	sadd.s32 $0x2, s24;
	v6 =	vmov s23  }
0xc4: {  	_ =	sdelay $0x3  }
0xc5: {  	v6 =	vand.u32 $0x7E, v6;
	[tilespmem:v5+s17+$0x0] =	vst.idx.msk $0xffff, v4;
	s22 =	sadd.s32 $0x80, s22  }
0xc6: {  	v4 =	vld [tilespmem:s22+$0xFFFFFFC0];
	v5 =	vadd.s32 v0, v6;
	_ =	sdelay $0x4  }
0xc7: {  	[tilespmem:v5+s17+$0x0] =	vst.idx.msk $0xffff, v4  }
0xc8: {  	v5 =	vadd.s32 v1, v6;
	v4 =	vld [tilespmem:s22+$0xFFFFFFD0];
	_ =	sdelay $0x4  }
0xc9: {  	[tilespmem:v5+s17+$0x0] =	vst.idx.msk $0xffff, v4  }
0xca: {  	v5 =	vadd.s32 v2, v6;
	v4 =	vld [tilespmem:s22+$0xFFFFFFE0];
	_ =	sdelay $0x4  }
0xcb: {  	[tilespmem:v5+s17+$0x0] =	vst.idx.msk $0xffff, v4  }
0xcc: {  	v5 =	vadd.s32 v3, v6;
	v4 =	vld [tilespmem:s22+$0xFFFFFFF0];
	_ =	sdelay $0x2  }
0xcd: {  	s23 =	sadd.s32 $0x1, s23  }
0xce: {  	v61 =	vmov s23  }
0xcf: {  	[tilespmem:v5+s17+$0x0] =	vst.idx.msk $0xffff, v4;
	v4 =	vand.u32 $0x7F, v61  }
0xd0: {  	v5 =	vld [tilespmem:s22+$0x0];
	v6 =	vadd.s32 v0, v4;
	_ =	sdelay $0x4  }
0xd1: {  	[tilespmem:v6+s17+$0x0] =	vst.idx.msk $0xffff, v5  }
0xd2: {  	v62 =	vadd.s32 v1, v4;
	v5 =	vld [tilespmem:s22+$0x10];
	_ =	sdelay $0x4  }
0xd3: {  	[tilespmem:v62+s17+$0x0] =	vst.idx.msk $0xffff, v5  }
0xd4: {  	v63 =	vadd.s32 v2, v4;
	v5 =	vld [tilespmem:s22+$0x20];
	_ =	sdelay $0x4  }
0xd5: {  	[tilespmem:v63+s17+$0x0] =	vst.idx.msk $0xffff, v5  }
0xd6: {  	v4 =	vadd.s32 v3, v4;
	v5 =	vld [tilespmem:s22+$0x30];
	_ =	sdelay $0x1  }
0xd7: {  	s21 =	sshll.u32 s21, $0x12  }
0xd8: {  	s21 =	sor.u32 s6, s21  }
0xd9: {  	s21 =	sshrl.u32 s21, $0x3  }
0xda: {  	s26 =	simm.s32 $0x7B00;
	s22 =	sadd.s32 s2, s21;
	[tilespmem:v4+s17+$0x0] =	vst.idx.msk $0xffff, v5  }
0xdb: {  	[hbm4b:s22+s3] =	stream.linear.scatter [tilespmem:s26], [sflag:$0x4], $0x80, $0x38;
	[tilespmem:$0x9D00] =	vst v63  }
0xdc: {  	s28 =	simm.s32 $0x7B88;
	s29 =	sadd.s32 $0x10, s22  }
0xdd: {  	[hbm4b:s29+s3] =	stream.linear.scatter [tilespmem:s28], [sflag:$0x4], $0x80, $0x38;
	[tilespmem:$0x9D00] =	vst v63  }
0xde: {  	s30 =	simm.s32 $0x7C10;
	s25 =	simm.s32 $0x7D20;
	s31 =	sadd.s32 $0x20, s22  }
0xdf: {  	[hbm4b:s31+s3] =	stream.linear.scatter [tilespmem:s30], [sflag:$0x4], $0x80, $0x38;
	[tilespmem:$0x9D00] =	vst v63  }
0xe0: {  	s23 =	simm.s32 $0x7C98;
	s21 =	simm.s32 $0x440;
	s24 =	sadd.s32 $0x30, s22  }
0xe1: {  	[hbm4b:s24+s3] =	stream.linear.scatter [tilespmem:s23], [sflag:$0x4], $0x80, $0x38;
	[tilespmem:$0x9D00] =	vst v63  }
0xe2: {  	s26 =	sadd.s32 $0x40, s22;
	s28 =	simm.s32 $0x7DA8;
	s29 =	sadd.s32 $0x50, s22  }
0xe3: {  	[hbm4b:s26+s3] =	stream.linear.scatter [tilespmem:s25], [sflag:$0x4], $0x80, $0x38;
	[tilespmem:$0x9D00] =	vst v63  }
0xe4: {  	s30 =	simm.s32 $0x7E30;
	s31 =	sadd.s32 $0x60, s22;
	s23 =	simm.s32 $0x2200  }
0xe5: {  	[hbm4b:s29+s3] =	stream.linear.scatter [tilespmem:s28], [sflag:$0x4], $0x80, $0x38;
	[tilespmem:$0x9D00] =	vst v63  }
0xe6: {  	s24 =	simm.s32 $0x7EB8;
	s25 =	sadd.s32 $0x70, s22;
	s22 =	sadd.s32 $0x1000, s22  }
0xe7: {  	[hbm4b:s31+s3] =	stream.linear.scatter [tilespmem:s30], [sflag:$0x4], $0x80, $0x38;
	[tilespmem:$0x9D00] =	vst v63  }
.LBB2_13:
0xe8: {  	[hbm4b:s25+s3] =	stream.linear.scatter [tilespmem:s24], [sflag:$0x4], $0x80, $0x38;
	[tilespmem:$0x9D00] =	vst v63  }
0xe9: {  	s24 =	smov.u32 s21;
	s21 =	smov.u32 s23  }
0xea: {  	s26 =	sadd.s32 $0x1100, s23;
	s21 =	sshra.s32 s21, $0x2;
	s25 =	sadd.s32 $0x7B00, s24  }
0xeb: {  	[hbm4b:s22+s3] =	stream.linear.scatter [tilespmem:s25], [sflag:$0x4], $0x80, $0x38;
	[tilespmem:$0x9D00] =	vst v63  }
0xec: {  	p0 =	sne.s32 s23, $0x7700;
	s23 =	sadd.s32 $0x7B88, s24;
	s25 =	sadd.s32 $0x10, s22  }
0xed: {  	[hbm4b:s25+s3] =	stream.linear.scatter [tilespmem:s23], [sflag:$0x4], $0x80, $0x38;
	[tilespmem:$0x9D00] =	vst v63  }
0xee: {  	s23 =	sadd.s32 $0x7C10, s24;
	s25 =	sadd.s32 $0x20, s22  }
0xef: {  	[hbm4b:s25+s3] =	stream.linear.scatter [tilespmem:s23], [sflag:$0x4], $0x80, $0x38;
	[tilespmem:$0x9D00] =	vst v63  }
0xf0: {  	s23 =	sadd.s32 $0x7C98, s24;
	s25 =	sadd.s32 $0x30, s22  }
0xf1: {  	[hbm4b:s25+s3] =	stream.linear.scatter [tilespmem:s23], [sflag:$0x4], $0x80, $0x38;
	[tilespmem:$0x9D00] =	vst v63  }
0xf2: {  	s23 =	sadd.s32 $0x7D20, s24;
	s25 =	sadd.s32 $0x40, s22  }
0xf3: {  	[hbm4b:s25+s3] =	stream.linear.scatter [tilespmem:s23], [sflag:$0x4], $0x80, $0x38;
	[tilespmem:$0x9D00] =	vst v63  }
.Ltmp6:
0xf4: {  	s23 =	sadd.s32 $0x7DA8, s24;
	s25 =	sadd.s32 $0x50, s22;
	(pc) =	sbr.rel @p0 .LBB2_13-.Ltmp6, $4  }
0xf5: {  	[hbm4b:s25+s3] =	stream.linear.scatter [tilespmem:s23], [sflag:$0x4], $0x80, $0x38;
	[tilespmem:$0x9D00] =	vst v63  }
0xf6: {  	s23 =	sadd.s32 $0x7E30, s24;
	s25 =	sadd.s32 $0x60, s22;
	s24 =	sadd.s32 $0x7EB8, s24  }
0xf7: {  	[hbm4b:s25+s3] =	stream.linear.scatter [tilespmem:s23], [sflag:$0x4], $0x80, $0x38;
	[tilespmem:$0x9D00] =	vst v63  }
0xf8: {  	s25 =	sadd.s32 $0x70, s22;
	s22 =	sadd.s32 $0x1000, s22;
	s23 =	smov.u32 s26  }
0xf9: {  	[hbm4b:s25+s3] =	stream.linear.scatter [tilespmem:s24], [sflag:$0x4], $0x80, $0x38;
	[tilespmem:$0x9D00] =	vst v63  }
0xfa: {  	s23 =	sadd.s32 $0x7B00, s21  }
0xfb: {  	[hbm4b:s22+s3] =	stream.linear.scatter [tilespmem:s23], [sflag:$0x4], $0x80, $0x38;
	[tilespmem:$0x9D00] =	vst v63  }
0xfc: {  	s30 =	sadd.s32 $0x7B88, s21;
	s31 =	sadd.s32 $0x10, s22  }
0xfd: {  	[hbm4b:s31+s3] =	stream.linear.scatter [tilespmem:s30], [sflag:$0x4], $0x80, $0x38;
	[tilespmem:$0x9D00] =	vst v63  }
0xfe: {  	s25 =	sadd.s32 $0x7C10, s21;
	s26 =	sadd.s32 $0x20, s22  }
0xff: {  	[hbm4b:s26+s3] =	stream.linear.scatter [tilespmem:s25], [sflag:$0x4], $0x80, $0x38;
	[tilespmem:$0x9D00] =	vst v63  }
0x100: {  	s28 =	sadd.s32 $0x7C98, s21;
	s29 =	sadd.s32 $0x30, s22  }
0x101: {  	[hbm4b:s29+s3] =	stream.linear.scatter [tilespmem:s28], [sflag:$0x4], $0x80, $0x38;
	[tilespmem:$0x9D00] =	vst v63  }
0x102: {  	s20 =	sadd.s32 $0x1, s20;
	s30 =	sadd.s32 $0x7D20, s21;
	s31 =	sadd.s32 $0x40, s22  }
0x103: {  	[hbm4b:s31+s3] =	stream.linear.scatter [tilespmem:s30], [sflag:$0x4], $0x80, $0x38;
	[tilespmem:$0x9D00] =	vst v63  }
0x104: {  	p0 =	sne.s32 s20, $0x19;
	s25 =	sadd.s32 $0x7DA8, s21;
	s26 =	sadd.s32 $0x50, s22  }
0x105: {  	[hbm4b:s26+s3] =	stream.linear.scatter [tilespmem:s25], [sflag:$0x4], $0x80, $0x38;
	[tilespmem:$0x9D00] =	vst v63  }
.Ltmp7:
0x106: {  	_ = 	snop;
	(pc) =	sbr.rel @p0 .LBB2_2-.Ltmp7, $4  }
0x107: {  	s28 =	sadd.s32 $0x7E30, s21;
	s29 =	sadd.s32 $0x60, s22  }
0x108: {  	[hbm4b:s29+s3] =	stream.linear.scatter [tilespmem:s28], [sflag:$0x4], $0x80, $0x38;
	[tilespmem:$0x9D00] =	vst v63  }
0x109: {  	s30 =	sadd.s32 $0x7EB8, s21;
	s31 =	sadd.s32 $0x70, s22  }
0x10a: {  	[hbm4b:s31+s3] =	stream.linear.scatter [tilespmem:s30], [sflag:$0x4], $0x80, $0x38;
	[tilespmem:$0x9D00] =	vst v63  }
0x10b: {  	s19 =	sadd.s32 $0x1, s19  }
0x10c: {  	_ =	swait.ge [sflag:s18], $0x2000;
	p0 =	sne.s32 s19, s7  }
.Ltmp8:
0x10d: {  	[sflag:s18] =	ssyncset.done $0x0;
	(pc) =	sbr.rel @p0 .LBB2_1-.Ltmp8, $4  }
0x10e: {  	[sflag:s18] =	ssyncadd.s32 $0xFFFFE000  }
0x10f: {  	_ =	swait.ge [sflag:s16], $0x2000  }
0x110: {  	[sflag:s16] =	ssyncset.done $0x0  }
0x111: {  	[sflag:s16] =	ssyncadd.s32 $0xFFFFE000  }
0x112: {  	_ =	sfence.sel $0x180000  }
0x113: {  	[bflag:$0x0] =	sbarrier.arrive $0xFFFF  }
0x114: {  	p0 =	sne.s32 s1, $0x0;
	_ =	strace $0x90000047  }
0x115: {  	s0 =	sadd.s32 @!p0 $0x100000, s0;
	[bflag:$0x2] =	sbarrier.arrive $0xFFFF  }
0x116: {  	[sflag:s0] =	ssyncadd.tile.s32 @!p0 $0x1;
	_ =	shalt  }
.Lfunc_end2:
_tile_overlayer_lowered:
.L_overlay_start_2:
0x117: {  	(tag) =	ssettag $0x2  }
0x118: {  	s0 =	rddreg [dreg:$0x0];
	s2 =	stileid.u32  }
0x119: {  	s1 =	rddreg [dreg:$0x1];
	p0 =	sne.s32 s2, $0x0  }
0x11a: {  	s3 =	rddreg [dreg:$0x2];
	[bflag:$0x3] =	sbarrier.arrive $0xFFFF;
	s2 =	simm.s32 @!p0 $0x1C05  }
0x11b: {  	[timem:s3], [sflag:s2] =	dma.local @!p0 [hbm:s0], s1  }
0x11c: {  	s0 =	simm.s32 @!p0 $0x5  }
0x11d: {  	_ =	swait.ge @!p0 [sflag:s0], s1  }
0x11e: {  	s1 =	ssub.s32 @!p0 $0x0, s1;
	[sflag:s0] =	ssyncset.done @!p0 $0x0  }
0x11f: {  	[sflag:s0] =	ssyncadd.s32 @!p0 s1  }
0x120: {  	[bflag:$0x3] =	sbarrier.arrive $0xFFFF  }
0x121: {  	_ =	shalt  }

</sc_bundles>
